<compile_context>
chip_gen: v7x
topology: tpu7x:2x2x1
jax: 0.10.2.dev20260603
libtpu: 0.0.44.dev20260713+nightly
codegen_flags: <defaults>
</compile_context>

<pallas_src>
import jax
import jax.numpy as jnp
from jax import lax
from jax.experimental import pallas as pl
from jax.experimental.pallas import tpu as pltpu
from jax.experimental.pallas import tpu_sc as plsc

PERIODS = 288
WEEKEND = 7
P_DIM = 24
W_DIM = 24
OUT_DIM = P_DIM + W_DIM
PAD_DIM = 128
N_TAB = PERIODS * WEEKEND
N_ROWS = 64 * 12 * 1000
NW = 32
PER_W = N_ROWS // NW
SUB = 96
NSUB = 5
B_BLK = SUB * NSUB
N_BLK = PER_W // B_BLK
DEPTH = 5


def _build_table_kernel(p_ref, w_ref, o_ref):
    pe = jnp.broadcast_to(p_ref[:][:, None, :], (PERIODS, WEEKEND, P_DIM))
    we = jnp.broadcast_to(w_ref[:][None, :, :], (PERIODS, WEEKEND, W_DIM))
    o_ref[:] = jnp.concatenate([pe, we], axis=-1)


def _build_fused_table(periods_embedding, weekend_embedding):
    fused3 = pl.pallas_call(
        _build_table_kernel,
        out_shape=jax.ShapeDtypeStruct((PERIODS, WEEKEND, OUT_DIM), jnp.float32),
    )(periods_embedding, weekend_embedding)
    return fused3.reshape(N_TAB, OUT_DIM)


def _sc_body(idx_hbm, tab_hbm, out_hbm, tab_sh, idx_v, rows_v, xs, gs, osem):
    sid = lax.axis_index("s")
    wid = sid * 2 + lax.axis_index("c")
    w_base = wid * PER_W

    @pl.when(sid == 0)
    def _():
        pltpu.sync_copy(tab_hbm, tab_sh)

    plsc.subcore_barrier()

    def fire_idx(i, s):
        base = w_base + i * B_BLK
        pltpu.async_copy(idx_hbm.at[pl.ds(base, B_BLK)], idx_v[s], xs[s])

    def wait_idx(i, s):
        base = w_base + i * B_BLK
        pltpu.make_async_copy(idx_hbm.at[pl.ds(base, B_BLK)], idx_v[s], xs[s]).wait()

    def fire_gathers(s):
        for r in range(NSUB):
            pltpu.async_copy(
                tab_sh.at[idx_v[s].at[pl.ds(r * SUB, SUB)]],
                rows_v[s].at[pl.ds(r * SUB, SUB)],
                gs[s],
            )

    def wait_gathers(s):
        for r in range(NSUB):
            pltpu.make_async_copy(
                tab_sh.at[idx_v[s].at[pl.ds(r * SUB, SUB)]],
                rows_v[s].at[pl.ds(r * SUB, SUB)],
                gs[s],
            ).wait()

    def fire_out(i, s):
        base = w_base + i * B_BLK
        pltpu.async_copy(
            rows_v[s], out_hbm.at[pl.ds(base, B_BLK), pl.ds(0, OUT_DIM)], osem[s]
        )

    def wait_out(i, s):
        base = w_base + i * B_BLK
        pltpu.make_async_copy(
            rows_v[s], out_hbm.at[pl.ds(base, B_BLK), pl.ds(0, OUT_DIM)], osem[s]
        ).wait()

    for i in range(3):
        fire_idx(i, i)
    for i in range(DEPTH):
        wait_idx(i, i)
        fire_gathers(i)
        if i >= 2:
            wait_gathers(i - 2)
            fire_out(i - 2, i - 2)
        fire_idx(i + 3, (i + 3) % DEPTH)

    def steady(j, carry):
        i0 = DEPTH * j
        for d in range(DEPTH):
            i = i0 + d
            s = d
            s2 = (d - 2) % DEPTH
            wait_idx(i, s)
            wait_out(i - DEPTH, s)
            fire_gathers(s)
            wait_gathers(s2)
            fire_out(i - 2, s2)

            @pl.when(i + 3 < N_BLK)
            def _():
                fire_idx(i + 3, s2)

        return carry

    lax.fori_loop(1, N_BLK // DEPTH, steady, 0)

    for i in (N_BLK - 2, N_BLK - 1):
        wait_gathers(i % DEPTH)
        fire_out(i, i % DEPTH)
    for s in range(DEPTH):
        wait_out(N_BLK - DEPTH + s, s)


@jax.jit
def _encode(idx, fused_table):
    mesh = plsc.VectorSubcoreMesh(core_axis_name="c", subcore_axis_name="s")
    return pl.kernel(
        _sc_body,
        out_type=jax.ShapeDtypeStruct((N_ROWS, PAD_DIM), jnp.float32),
        mesh=mesh,
        compiler_params=pltpu.CompilerParams(
            needs_layout_passes=False, use_tc_tiling_on_sc=False
        ),
        scratch_types=dict(
            tab_sh=pltpu.VMEM_SHARED((N_TAB, OUT_DIM), jnp.float32),
            idx_v=[pltpu.VMEM((B_BLK,), jnp.int32) for _ in range(DEPTH)],
            rows_v=[pltpu.VMEM((B_BLK, OUT_DIM), jnp.float32) for _ in range(DEPTH)],
            xs=[pltpu.SemaphoreType.DMA for _ in range(DEPTH)],
            gs=[pltpu.SemaphoreType.DMA for _ in range(DEPTH)],
            osem=[pltpu.SemaphoreType.DMA for _ in range(DEPTH)],
        ),
    )(idx, fused_table)


def kernel(x, periods_embedding, weekend_embedding):
    b, t, n, _ = x.shape
    fused = _build_fused_table(periods_embedding, weekend_embedding)
    pi = jnp.minimum((x[..., 1] * float(PERIODS)).astype(jnp.int32), PERIODS - 1)
    wi = jnp.minimum(x[..., 2].astype(jnp.int32), WEEKEND - 1)
    idx = (pi * WEEKEND + wi).reshape(-1)
    out = _encode(idx, fused)
    return out[:, :OUT_DIM].reshape(b, t, n, OUT_DIM)

# --- scband reference (transcript-rebuilt; emitter-appended) ---
"""Pipeline reference for scband-encoder-3083786518693 (READ-ONLY COPY).

The authoritative reference and input builder live on the scoring server;
editing this copy changes nothing except your own understanding.
"""

import jax, jax.numpy as jnp
import numpy as np

NUM_NODES = 1000
BATCH = 64
IN_STEPS = 12
INPUT_DIM = 3
PERIODS = 288
WEEKEND = 7
P_DIM = 24
W_DIM = 24


def setup_inputs(seed: int = 0) -> dict:
    key = jax.random.key(seed)
    k1, k2, k3 = jax.random.split(key, 3)
    x = jax.random.uniform(k1, (BATCH, IN_STEPS, NUM_NODES, INPUT_DIM), dtype=jnp.float32)
    periods_embedding = jax.random.normal(k2, (PERIODS, P_DIM), dtype=jnp.float32)
    weekend_embedding = jax.random.normal(k3, (WEEKEND, W_DIM), dtype=jnp.float32)
    return {"x": x, "periods_embedding": periods_embedding, "weekend_embedding": weekend_embedding}


def reference(x, periods_embedding, weekend_embedding):
    # periods = x[..., 1]; idx = (periods * PERIODS).long()
    p_idx = (x[..., 1] * PERIODS).astype(jnp.int32)
    periods_emb = jnp.take(periods_embedding, p_idx, axis=0)
    # weekend = x[..., 2].long()
    w_idx = x[..., 2].astype(jnp.int32)
    weekend_emb = jnp.take(weekend_embedding, w_idx, axis=0)
    encoding = jnp.concatenate([periods_emb, weekend_emb], axis=-1)
    return encoding

if __name__ == "__main__":
    import jax
    _d = setup_inputs()
    print(jax.jit(kernel)(*tuple(_d.values())))

</pallas_src>

<mosaic_0001>
#map = affine_map<(d0, d1) -> (0)>
#map1 = affine_map<(d0, d1) -> (0, 0)>
module attributes {stable_mosaic.version = 14 : i64} {
  func.func @_sc_body(%arg0: i32, %arg1: i32, %arg2: memref<768000xi32, #tpu.memory_space<hbm>>, %arg3: memref<2016x48xf32, #tpu.memory_space<hbm>>, %arg4: memref<768000x128xf32, #tpu.memory_space<hbm>>, %arg5: memref<!tpu.dma_semaphore, #tpu.memory_space<semaphore_mem>>, %arg6: memref<!tpu.dma_semaphore, #tpu.memory_space<semaphore_mem>>, %arg7: memref<!tpu.dma_semaphore, #tpu.memory_space<semaphore_mem>>, %arg8: memref<!tpu.dma_semaphore, #tpu.memory_space<semaphore_mem>>, %arg9: memref<!tpu.dma_semaphore, #tpu.memory_space<semaphore_mem>>, %arg10: memref<480xi32, #tpu.memory_space<vmem>>, %arg11: memref<480xi32, #tpu.memory_space<vmem>>, %arg12: memref<480xi32, #tpu.memory_space<vmem>>, %arg13: memref<480xi32, #tpu.memory_space<vmem>>, %arg14: memref<480xi32, #tpu.memory_space<vmem>>, %arg15: memref<!tpu.dma_semaphore, #tpu.memory_space<semaphore_mem>>, %arg16: memref<!tpu.dma_semaphore, #tpu.memory_space<semaphore_mem>>, %arg17: memref<!tpu.dma_semaphore, #tpu.memory_space<semaphore_mem>>, %arg18: memref<!tpu.dma_semaphore, #tpu.memory_space<semaphore_mem>>, %arg19: memref<!tpu.dma_semaphore, #tpu.memory_space<semaphore_mem>>, %arg20: memref<480x48xf32, #tpu.memory_space<vmem>>, %arg21: memref<480x48xf32, #tpu.memory_space<vmem>>, %arg22: memref<480x48xf32, #tpu.memory_space<vmem>>, %arg23: memref<480x48xf32, #tpu.memory_space<vmem>>, %arg24: memref<480x48xf32, #tpu.memory_space<vmem>>, %arg25: memref<2016x48xf32, #tpu.memory_space<vmem_shared>>, %arg26: memref<!tpu.dma_semaphore, #tpu.memory_space<semaphore_mem>>, %arg27: memref<!tpu.dma_semaphore, #tpu.memory_space<semaphore_mem>>, %arg28: memref<!tpu.dma_semaphore, #tpu.memory_space<semaphore_mem>>, %arg29: memref<!tpu.dma_semaphore, #tpu.memory_space<semaphore_mem>>, %arg30: memref<!tpu.dma_semaphore, #tpu.memory_space<semaphore_mem>>) attributes {dimension_semantics = [#tpu.dimension_semantics<core_parallel>, #tpu.dimension_semantics<subcore_parallel>], iteration_bounds = array<i64: 2, 16>, scalar_prefetch = 0 : i64, scratch_operands = 26 : i64, tpu.core_type = #tpu.core_type<sc_vector_subcore>, window_params = [{transform_indices = #map}, {transform_indices = #map1}, {transform_indices = #map1}]} {
    %mul3A = arith.constant 2 : i32
    %mul3A_0 = arith.muli %arg1, %mul3A : i32
    %add3A = arith.addi %mul3A_0, %arg0 : i32
    %mul3A_1 = arith.constant 24000 : i32
    %mul3A_2 = arith.muli %add3A, %mul3A_1 : i32
    %eq3A = arith.constant 0 : i32
    %eq3A_3 = arith.cmpi eq, %arg1, %eq3A : i32
    %convert_element_type3A = arith.extui %eq3A_3 : i1 to i32
    %cond3A = arith.constant 0 : i32
    %cond3A_4 = arith.cmpi ne, %convert_element_type3A, %cond3A : i32
    scf.if %cond3A_4 {
      "tpu.region"() ({
        %run_scoped3A = tpu.sem_alloc : memref<!tpu.dma_semaphore, #tpu.memory_space<semaphore_mem>>
        tpu.enqueue_dma source(%arg3 : memref<2016x48xf32, #tpu.memory_space<hbm>>) target(%arg25 : memref<2016x48xf32, #tpu.memory_space<vmem_shared>>) target_semaphore(%run_scoped3A : memref<!tpu.dma_semaphore, #tpu.memory_space<semaphore_mem>>)
        tpu.wait_dma2 semaphore(%run_scoped3A : memref<!tpu.dma_semaphore, #tpu.memory_space<semaphore_mem>>) src(%arg3 : memref<2016x48xf32, #tpu.memory_space<hbm>>) dst(%arg25 : memref<2016x48xf32, #tpu.memory_space<vmem_shared>>)
        tpu.yield
      }) : () -> ()
    } else {
    }
    %barrier3A = arith.constant 0 : index
    tpu.barrier barrier_id(%barrier3A)
    %add3A_5 = arith.constant 0 : i32
    %add3A_6 = arith.addi %mul3A_2, %add3A_5 : i32
    %dma_start3A = tpu.memref_slice %arg2[%add3A_6] : memref<768000xi32, #tpu.memory_space<hbm>> -> memref<480xi32, #tpu.memory_space<hbm>>
    %dma_start3A_7 = tpu.memref_slice %arg2[%add3A_6] : memref<768000xi32, #tpu.memory_space<hbm>> -> memref<480xi32, #tpu.memory_space<hbm>>
    tpu.enqueue_dma source(%dma_start3A_7 : memref<480xi32, #tpu.memory_space<hbm>>) target(%arg10 : memref<480xi32, #tpu.memory_space<vmem>>) target_semaphore(%arg26 : memref<!tpu.dma_semaphore, #tpu.memory_space<semaphore_mem>>)
    %add3A_8 = arith.constant 480 : i32
    %add3A_9 = arith.addi %mul3A_2, %add3A_8 : i32
    %dma_start3A_10 = tpu.memref_slice %arg2[%add3A_9] : memref<768000xi32, #tpu.memory_space<hbm>> -> memref<480xi32, #tpu.memory_space<hbm>>
    %dma_start3A_11 = tpu.memref_slice %arg2[%add3A_9] : memref<768000xi32, #tpu.memory_space<hbm>> -> memref<480xi32, #tpu.memory_space<hbm>>
    tpu.enqueue_dma source(%dma_start3A_11 : memref<480xi32, #tpu.memory_space<hbm>>) target(%arg11 : memref<480xi32, #tpu.memory_space<vmem>>) target_semaphore(%arg27 : memref<!tpu.dma_semaphore, #tpu.memory_space<semaphore_mem>>)
    %add3A_12 = arith.constant 960 : i32
    %add3A_13 = arith.addi %mul3A_2, %add3A_12 : i32
    %dma_start3A_14 = tpu.memref_slice %arg2[%add3A_13] : memref<768000xi32, #tpu.memory_space<hbm>> -> memref<480xi32, #tpu.memory_space<hbm>>
    %dma_start3A_15 = tpu.memref_slice %arg2[%add3A_13] : memref<768000xi32, #tpu.memory_space<hbm>> -> memref<480xi32, #tpu.memory_space<hbm>>
    tpu.enqueue_dma source(%dma_start3A_15 : memref<480xi32, #tpu.memory_space<hbm>>) target(%arg12 : memref<480xi32, #tpu.memory_space<vmem>>) target_semaphore(%arg28 : memref<!tpu.dma_semaphore, #tpu.memory_space<semaphore_mem>>)
    %add3A_16 = arith.constant 0 : i32
    %add3A_17 = arith.addi %mul3A_2, %add3A_16 : i32
    %dma_wait3A = tpu.memref_slice %arg2[%add3A_17] : memref<768000xi32, #tpu.memory_space<hbm>> -> memref<480xi32, #tpu.memory_space<hbm>>
    %dma_wait3A_18 = tpu.memref_slice %arg2[%add3A_17] : memref<768000xi32, #tpu.memory_space<hbm>> -> memref<480xi32, #tpu.memory_space<hbm>>
    tpu.wait_dma2 semaphore(%arg26 : memref<!tpu.dma_semaphore, #tpu.memory_space<semaphore_mem>>) src(%dma_wait3A_18 : memref<480xi32, #tpu.memory_space<hbm>>) dst(%arg10 : memref<480xi32, #tpu.memory_space<vmem>>)
    %dma_start3A_19 = arith.constant 0 : i32
    %dma_start3A_20 = arith.constant 0 : i32
    %dma_start3A_21 = tpu.memref_slice %arg20[%dma_start3A_19, %dma_start3A_20] : memref<480x48xf32, #tpu.memory_space<vmem>> -> memref<96x48xf32, #tpu.memory_space<vmem>>
    %dma_start3A_22 = arith.constant 0 : i32
    %dma_start3A_23 = tpu.memref_slice %arg10[%dma_start3A_22] : memref<480xi32, #tpu.memory_space<vmem>> -> memref<96xi32, #tpu.memory_space<vmem>>
    %dma_start3A_24 = arith.constant 0 : i32
    %dma_start3A_25 = arith.constant 0 : i32
    %dma_start3A_26 = tpu.memref_slice %arg25[%dma_start3A_24, %dma_start3A_25] : memref<2016x48xf32, #tpu.memory_space<vmem_shared>> -> memref<2016x48xf32, #tpu.memory_space<vmem_shared>>
    tpu.enqueue_indirect_dma source(%dma_start3A_26 : memref<2016x48xf32, #tpu.memory_space<vmem_shared>>) target(%dma_start3A_21 : memref<96x48xf32, #tpu.memory_space<vmem>>) offsets(%dma_start3A_23 : memref<96xi32, #tpu.memory_space<vmem>>) semaphore(%arg5 : memref<!tpu.dma_semaphore, #tpu.memory_space<semaphore_mem>>)
    %dma_start3A_27 = arith.constant 96 : i32
    %dma_start3A_28 = arith.constant 0 : i32
    %dma_start3A_29 = tpu.memref_slice %arg20[%dma_start3A_27, %dma_start3A_28] : memref<480x48xf32, #tpu.memory_space<vmem>> -> memref<96x48xf32, #tpu.memory_space<vmem>>
    %dma_start3A_30 = arith.constant 96 : i32
    %dma_start3A_31 = tpu.memref_slice %arg10[%dma_start3A_30] : memref<480xi32, #tpu.memory_space<vmem>> -> memref<96xi32, #tpu.memory_space<vmem>>
    %dma_start3A_32 = arith.constant 0 : i32
    %dma_start3A_33 = arith.constant 0 : i32
    %dma_start3A_34 = tpu.memref_slice %arg25[%dma_start3A_32, %dma_start3A_33] : memref<2016x48xf32, #tpu.memory_space<vmem_shared>> -> memref<2016x48xf32, #tpu.memory_space<vmem_shared>>
    tpu.enqueue_indirect_dma source(%dma_start3A_34 : memref<2016x48xf32, #tpu.memory_space<vmem_shared>>) target(%dma_start3A_29 : memref<96x48xf32, #tpu.memory_space<vmem>>) offsets(%dma_start3A_31 : memref<96xi32, #tpu.memory_space<vmem>>) semaphore(%arg5 : memref<!tpu.dma_semaphore, #tpu.memory_space<semaphore_mem>>)
    %dma_start3A_35 = arith.constant 192 : i32
    %dma_start3A_36 = arith.constant 0 : i32
    %dma_start3A_37 = tpu.memref_slice %arg20[%dma_start3A_35, %dma_start3A_36] : memref<480x48xf32, #tpu.memory_space<vmem>> -> memref<96x48xf32, #tpu.memory_space<vmem>>
    %dma_start3A_38 = arith.constant 192 : i32
    %dma_start3A_39 = tpu.memref_slice %arg10[%dma_start3A_38] : memref<480xi32, #tpu.memory_space<vmem>> -> memref<96xi32, #tpu.memory_space<vmem>>
    %dma_start3A_40 = arith.constant 0 : i32
    %dma_start3A_41 = arith.constant 0 : i32
    %dma_start3A_42 = tpu.memref_slice %arg25[%dma_start3A_40, %dma_start3A_41] : memref<2016x48xf32, #tpu.memory_space<vmem_shared>> -> memref<2016x48xf32, #tpu.memory_space<vmem_shared>>
    tpu.enqueue_indirect_dma source(%dma_start3A_42 : memref<2016x48xf32, #tpu.memory_space<vmem_shared>>) target(%dma_start3A_37 : memref<96x48xf32, #tpu.memory_space<vmem>>) offsets(%dma_start3A_39 : memref<96xi32, #tpu.memory_space<vmem>>) semaphore(%arg5 : memref<!tpu.dma_semaphore, #tpu.memory_space<semaphore_mem>>)
    %dma_start3A_43 = arith.constant 288 : i32
    %dma_start3A_44 = arith.constant 0 : i32
    %dma_start3A_45 = tpu.memref_slice %arg20[%dma_start3A_43, %dma_start3A_44] : memref<480x48xf32, #tpu.memory_space<vmem>> -> memref<96x48xf32, #tpu.memory_space<vmem>>
    %dma_start3A_46 = arith.constant 288 : i32
    %dma_start3A_47 = tpu.memref_slice %arg10[%dma_start3A_46] : memref<480xi32, #tpu.memory_space<vmem>> -> memref<96xi32, #tpu.memory_space<vmem>>
    %dma_start3A_48 = arith.constant 0 : i32
    %dma_start3A_49 = arith.constant 0 : i32
    %dma_start3A_50 = tpu.memref_slice %arg25[%dma_start3A_48, %dma_start3A_49] : memref<2016x48xf32, #tpu.memory_space<vmem_shared>> -> memref<2016x48xf32, #tpu.memory_space<vmem_shared>>
    tpu.enqueue_indirect_dma source(%dma_start3A_50 : memref<2016x48xf32, #tpu.memory_space<vmem_shared>>) target(%dma_start3A_45 : memref<96x48xf32, #tpu.memory_space<vmem>>) offsets(%dma_start3A_47 : memref<96xi32, #tpu.memory_space<vmem>>) semaphore(%arg5 : memref<!tpu.dma_semaphore, #tpu.memory_space<semaphore_mem>>)
    %dma_start3A_51 = arith.constant 384 : i32
    %dma_start3A_52 = arith.constant 0 : i32
    %dma_start3A_53 = tpu.memref_slice %arg20[%dma_start3A_51, %dma_start3A_52] : memref<480x48xf32, #tpu.memory_space<vmem>> -> memref<96x48xf32, #tpu.memory_space<vmem>>
    %dma_start3A_54 = arith.constant 384 : i32
    %dma_start3A_55 = tpu.memref_slice %arg10[%dma_start3A_54] : memref<480xi32, #tpu.memory_space<vmem>> -> memref<96xi32, #tpu.memory_space<vmem>>
    %dma_start3A_56 = arith.constant 0 : i32
    %dma_start3A_57 = arith.constant 0 : i32
    %dma_start3A_58 = tpu.memref_slice %arg25[%dma_start3A_56, %dma_start3A_57] : memref<2016x48xf32, #tpu.memory_space<vmem_shared>> -> memref<2016x48xf32, #tpu.memory_space<vmem_shared>>
    tpu.enqueue_indirect_dma source(%dma_start3A_58 : memref<2016x48xf32, #tpu.memory_space<vmem_shared>>) target(%dma_start3A_53 : memref<96x48xf32, #tpu.memory_space<vmem>>) offsets(%dma_start3A_55 : memref<96xi32, #tpu.memory_space<vmem>>) semaphore(%arg5 : memref<!tpu.dma_semaphore, #tpu.memory_space<semaphore_mem>>)
    %add3A_59 = arith.constant 1440 : i32
    %add3A_60 = arith.addi %mul3A_2, %add3A_59 : i32
    %dma_start3A_61 = tpu.memref_slice %arg2[%add3A_60] : memref<768000xi32, #tpu.memory_space<hbm>> -> memref<480xi32, #tpu.memory_space<hbm>>
    %dma_start3A_62 = tpu.memref_slice %arg2[%add3A_60] : memref<768000xi32, #tpu.memory_space<hbm>> -> memref<480xi32, #tpu.memory_space<hbm>>
    tpu.enqueue_dma source(%dma_start3A_62 : memref<480xi32, #tpu.memory_space<hbm>>) target(%arg13 : memref<480xi32, #tpu.memory_space<vmem>>) target_semaphore(%arg29 : memref<!tpu.dma_semaphore, #tpu.memory_space<semaphore_mem>>)
    %add3A_63 = arith.constant 480 : i32
    %add3A_64 = arith.addi %mul3A_2, %add3A_63 : i32
    %dma_wait3A_65 = tpu.memref_slice %arg2[%add3A_64] : memref<768000xi32, #tpu.memory_space<hbm>> -> memref<480xi32, #tpu.memory_space<hbm>>
    %dma_wait3A_66 = tpu.memref_slice %arg2[%add3A_64] : memref<768000xi32, #tpu.memory_space<hbm>> -> memref<480xi32, #tpu.memory_space<hbm>>
    tpu.wait_dma2 semaphore(%arg27 : memref<!tpu.dma_semaphore, #tpu.memory_space<semaphore_mem>>) src(%dma_wait3A_66 : memref<480xi32, #tpu.memory_space<hbm>>) dst(%arg11 : memref<480xi32, #tpu.memory_space<vmem>>)
    %dma_start3A_67 = arith.constant 0 : i32
    %dma_start3A_68 = arith.constant 0 : i32
    %dma_start3A_69 = tpu.memref_slice %arg21[%dma_start3A_67, %dma_start3A_68] : memref<480x48xf32, #tpu.memory_space<vmem>> -> memref<96x48xf32, #tpu.memory_space<vmem>>
    %dma_start3A_70 = arith.constant 0 : i32
    %dma_start3A_71 = tpu.memref_slice %arg11[%dma_start3A_70] : memref<480xi32, #tpu.memory_space<vmem>> -> memref<96xi32, #tpu.memory_space<vmem>>
    %dma_start3A_72 = arith.constant 0 : i32
    %dma_start3A_73 = arith.constant 0 : i32
    %dma_start3A_74 = tpu.memref_slice %arg25[%dma_start3A_72, %dma_start3A_73] : memref<2016x48xf32, #tpu.memory_space<vmem_shared>> -> memref<2016x48xf32, #tpu.memory_space<vmem_shared>>
    tpu.enqueue_indirect_dma source(%dma_start3A_74 : memref<2016x48xf32, #tpu.memory_space<vmem_shared>>) target(%dma_start3A_69 : memref<96x48xf32, #tpu.memory_space<vmem>>) offsets(%dma_start3A_71 : memref<96xi32, #tpu.memory_space<vmem>>) semaphore(%arg6 : memref<!tpu.dma_semaphore, #tpu.memory_space<semaphore_mem>>)
    %dma_start3A_75 = arith.constant 96 : i32
    %dma_start3A_76 = arith.constant 0 : i32
    %dma_start3A_77 = tpu.memref_slice %arg21[%dma_start3A_75, %dma_start3A_76] : memref<480x48xf32, #tpu.memory_space<vmem>> -> memref<96x48xf32, #tpu.memory_space<vmem>>
    %dma_start3A_78 = arith.constant 96 : i32
    %dma_start3A_79 = tpu.memref_slice %arg11[%dma_start3A_78] : memref<480xi32, #tpu.memory_space<vmem>> -> memref<96xi32, #tpu.memory_space<vmem>>
    %dma_start3A_80 = arith.constant 0 : i32
    %dma_start3A_81 = arith.constant 0 : i32
    %dma_start3A_82 = tpu.memref_slice %arg25[%dma_start3A_80, %dma_start3A_81] : memref<2016x48xf32, #tpu.memory_space<vmem_shared>> -> memref<2016x48xf32, #tpu.memory_space<vmem_shared>>
    tpu.enqueue_indirect_dma source(%dma_start3A_82 : memref<2016x48xf32, #tpu.memory_space<vmem_shared>>) target(%dma_start3A_77 : memref<96x48xf32, #tpu.memory_space<vmem>>) offsets(%dma_start3A_79 : memref<96xi32, #tpu.memory_space<vmem>>) semaphore(%arg6 : memref<!tpu.dma_semaphore, #tpu.memory_space<semaphore_mem>>)
    %dma_start3A_83 = arith.constant 192 : i32
    %dma_start3A_84 = arith.constant 0 : i32
    %dma_start3A_85 = tpu.memref_slice %arg21[%dma_start3A_83, %dma_start3A_84] : memref<480x48xf32, #tpu.memory_space<vmem>> -> memref<96x48xf32, #tpu.memory_space<vmem>>
    %dma_start3A_86 = arith.constant 192 : i32
    %dma_start3A_87 = tpu.memref_slice %arg11[%dma_start3A_86] : memref<480xi32, #tpu.memory_space<vmem>> -> memref<96xi32, #tpu.memory_space<vmem>>
    %dma_start3A_88 = arith.constant 0 : i32
    %dma_start3A_89 = arith.constant 0 : i32
    %dma_start3A_90 = tpu.memref_slice %arg25[%dma_start3A_88, %dma_start3A_89] : memref<2016x48xf32, #tpu.memory_space<vmem_shared>> -> memref<2016x48xf32, #tpu.memory_space<vmem_shared>>
    tpu.enqueue_indirect_dma source(%dma_start3A_90 : memref<2016x48xf32, #tpu.memory_space<vmem_shared>>) target(%dma_start3A_85 : memref<96x48xf32, #tpu.memory_space<vmem>>) offsets(%dma_start3A_87 : memref<96xi32, #tpu.memory_space<vmem>>) semaphore(%arg6 : memref<!tpu.dma_semaphore, #tpu.memory_space<semaphore_mem>>)
    %dma_start3A_91 = arith.constant 288 : i32
    %dma_start3A_92 = arith.constant 0 : i32
    %dma_start3A_93 = tpu.memref_slice %arg21[%dma_start3A_91, %dma_start3A_92] : memref<480x48xf32, #tpu.memory_space<vmem>> -> memref<96x48xf32, #tpu.memory_space<vmem>>
    %dma_start3A_94 = arith.constant 288 : i32
    %dma_start3A_95 = tpu.memref_slice %arg11[%dma_start3A_94] : memref<480xi32, #tpu.memory_space<vmem>> -> memref<96xi32, #tpu.memory_space<vmem>>
    %dma_start3A_96 = arith.constant 0 : i32
    %dma_start3A_97 = arith.constant 0 : i32
    %dma_start3A_98 = tpu.memref_slice %arg25[%dma_start3A_96, %dma_start3A_97] : memref<2016x48xf32, #tpu.memory_space<vmem_shared>> -> memref<2016x48xf32, #tpu.memory_space<vmem_shared>>
    tpu.enqueue_indirect_dma source(%dma_start3A_98 : memref<2016x48xf32, #tpu.memory_space<vmem_shared>>) target(%dma_start3A_93 : memref<96x48xf32, #tpu.memory_space<vmem>>) offsets(%dma_start3A_95 : memref<96xi32, #tpu.memory_space<vmem>>) semaphore(%arg6 : memref<!tpu.dma_semaphore, #tpu.memory_space<semaphore_mem>>)
    %dma_start3A_99 = arith.constant 384 : i32
    %dma_start3A_100 = arith.constant 0 : i32
    %dma_start3A_101 = tpu.memref_slice %arg21[%dma_start3A_99, %dma_start3A_100] : memref<480x48xf32, #tpu.memory_space<vmem>> -> memref<96x48xf32, #tpu.memory_space<vmem>>
    %dma_start3A_102 = arith.constant 384 : i32
    %dma_start3A_103 = tpu.memref_slice %arg11[%dma_start3A_102] : memref<480xi32, #tpu.memory_space<vmem>> -> memref<96xi32, #tpu.memory_space<vmem>>
    %dma_start3A_104 = arith.constant 0 : i32
    %dma_start3A_105 = arith.constant 0 : i32
    %dma_start3A_106 = tpu.memref_slice %arg25[%dma_start3A_104, %dma_start3A_105] : memref<2016x48xf32, #tpu.memory_space<vmem_shared>> -> memref<2016x48xf32, #tpu.memory_space<vmem_shared>>
    tpu.enqueue_indirect_dma source(%dma_start3A_106 : memref<2016x48xf32, #tpu.memory_space<vmem_shared>>) target(%dma_start3A_101 : memref<96x48xf32, #tpu.memory_space<vmem>>) offsets(%dma_start3A_103 : memref<96xi32, #tpu.memory_space<vmem>>) semaphore(%arg6 : memref<!tpu.dma_semaphore, #tpu.memory_space<semaphore_mem>>)
    %add3A_107 = arith.constant 1920 : i32
    %add3A_108 = arith.addi %mul3A_2, %add3A_107 : i32
    %dma_start3A_109 = tpu.memref_slice %arg2[%add3A_108] : memref<768000xi32, #tpu.memory_space<hbm>> -> memref<480xi32, #tpu.memory_space<hbm>>
    %dma_start3A_110 = tpu.memref_slice %arg2[%add3A_108] : memref<768000xi32, #tpu.memory_space<hbm>> -> memref<480xi32, #tpu.memory_space<hbm>>
    tpu.enqueue_dma source(%dma_start3A_110 : memref<480xi32, #tpu.memory_space<hbm>>) target(%arg14 : memref<480xi32, #tpu.memory_space<vmem>>) target_semaphore(%arg30 : memref<!tpu.dma_semaphore, #tpu.memory_space<semaphore_mem>>)
    %add3A_111 = arith.constant 960 : i32
    %add3A_112 = arith.addi %mul3A_2, %add3A_111 : i32
    %dma_wait3A_113 = tpu.memref_slice %arg2[%add3A_112] : memref<768000xi32, #tpu.memory_space<hbm>> -> memref<480xi32, #tpu.memory_space<hbm>>
    %dma_wait3A_114 = tpu.memref_slice %arg2[%add3A_112] : memref<768000xi32, #tpu.memory_space<hbm>> -> memref<480xi32, #tpu.memory_space<hbm>>
    tpu.wait_dma2 semaphore(%arg28 : memref<!tpu.dma_semaphore, #tpu.memory_space<semaphore_mem>>) src(%dma_wait3A_114 : memref<480xi32, #tpu.memory_space<hbm>>) dst(%arg12 : memref<480xi32, #tpu.memory_space<vmem>>)
    %dma_start3A_115 = arith.constant 0 : i32
    %dma_start3A_116 = arith.constant 0 : i32
    %dma_start3A_117 = tpu.memref_slice %arg22[%dma_start3A_115, %dma_start3A_116] : memref<480x48xf32, #tpu.memory_space<vmem>> -> memref<96x48xf32, #tpu.memory_space<vmem>>
    %dma_start3A_118 = arith.constant 0 : i32
    %dma_start3A_119 = tpu.memref_slice %arg12[%dma_start3A_118] : memref<480xi32, #tpu.memory_space<vmem>> -> memref<96xi32, #tpu.memory_space<vmem>>
    %dma_start3A_120 = arith.constant 0 : i32
    %dma_start3A_121 = arith.constant 0 : i32
    %dma_start3A_122 = tpu.memref_slice %arg25[%dma_start3A_120, %dma_start3A_121] : memref<2016x48xf32, #tpu.memory_space<vmem_shared>> -> memref<2016x48xf32, #tpu.memory_space<vmem_shared>>
    tpu.enqueue_indirect_dma source(%dma_start3A_122 : memref<2016x48xf32, #tpu.memory_space<vmem_shared>>) target(%dma_start3A_117 : memref<96x48xf32, #tpu.memory_space<vmem>>) offsets(%dma_start3A_119 : memref<96xi32, #tpu.memory_space<vmem>>) semaphore(%arg7 : memref<!tpu.dma_semaphore, #tpu.memory_space<semaphore_mem>>)
    %dma_start3A_123 = arith.constant 96 : i32
    %dma_start3A_124 = arith.constant 0 : i32
    %dma_start3A_125 = tpu.memref_slice %arg22[%dma_start3A_123, %dma_start3A_124] : memref<480x48xf32, #tpu.memory_space<vmem>> -> memref<96x48xf32, #tpu.memory_space<vmem>>
    %dma_start3A_126 = arith.constant 96 : i32
    %dma_start3A_127 = tpu.memref_slice %arg12[%dma_start3A_126] : memref<480xi32, #tpu.memory_space<vmem>> -> memref<96xi32, #tpu.memory_space<vmem>>
    %dma_start3A_128 = arith.constant 0 : i32
    %dma_start3A_129 = arith.constant 0 : i32
    %dma_start3A_130 = tpu.memref_slice %arg25[%dma_start3A_128, %dma_start3A_129] : memref<2016x48xf32, #tpu.memory_space<vmem_shared>> -> memref<2016x48xf32, #tpu.memory_space<vmem_shared>>
    tpu.enqueue_indirect_dma source(%dma_start3A_130 : memref<2016x48xf32, #tpu.memory_space<vmem_shared>>) target(%dma_start3A_125 : memref<96x48xf32, #tpu.memory_space<vmem>>) offsets(%dma_start3A_127 : memref<96xi32, #tpu.memory_space<vmem>>) semaphore(%arg7 : memref<!tpu.dma_semaphore, #tpu.memory_space<semaphore_mem>>)
    %dma_start3A_131 = arith.constant 192 : i32
    %dma_start3A_132 = arith.constant 0 : i32
    %dma_start3A_133 = tpu.memref_slice %arg22[%dma_start3A_131, %dma_start3A_132] : memref<480x48xf32, #tpu.memory_space<vmem>> -> memref<96x48xf32, #tpu.memory_space<vmem>>
    %dma_start3A_134 = arith.constant 192 : i32
    %dma_start3A_135 = tpu.memref_slice %arg12[%dma_start3A_134] : memref<480xi32, #tpu.memory_space<vmem>> -> memref<96xi32, #tpu.memory_space<vmem>>
    %dma_start3A_136 = arith.constant 0 : i32
    %dma_start3A_137 = arith.constant 0 : i32
    %dma_start3A_138 = tpu.memref_slice %arg25[%dma_start3A_136, %dma_start3A_137] : memref<2016x48xf32, #tpu.memory_space<vmem_shared>> -> memref<2016x48xf32, #tpu.memory_space<vmem_shared>>
    tpu.enqueue_indirect_dma source(%dma_start3A_138 : memref<2016x48xf32, #tpu.memory_space<vmem_shared>>) target(%dma_start3A_133 : memref<96x48xf32, #tpu.memory_space<vmem>>) offsets(%dma_start3A_135 : memref<96xi32, #tpu.memory_space<vmem>>) semaphore(%arg7 : memref<!tpu.dma_semaphore, #tpu.memory_space<semaphore_mem>>)
    %dma_start3A_139 = arith.constant 288 : i32
    %dma_start3A_140 = arith.constant 0 : i32
    %dma_start3A_141 = tpu.memref_slice %arg22[%dma_start3A_139, %dma_start3A_140] : memref<480x48xf32, #tpu.memory_space<vmem>> -> memref<96x48xf32, #tpu.memory_space<vmem>>
    %dma_start3A_142 = arith.constant 288 : i32
    %dma_start3A_143 = tpu.memref_slice %arg12[%dma_start3A_142] : memref<480xi32, #tpu.memory_space<vmem>> -> memref<96xi32, #tpu.memory_space<vmem>>
    %dma_start3A_144 = arith.constant 0 : i32
    %dma_start3A_145 = arith.constant 0 : i32
    %dma_start3A_146 = tpu.memref_slice %arg25[%dma_start3A_144, %dma_start3A_145] : memref<2016x48xf32, #tpu.memory_space<vmem_shared>> -> memref<2016x48xf32, #tpu.memory_space<vmem_shared>>
    tpu.enqueue_indirect_dma source(%dma_start3A_146 : memref<2016x48xf32, #tpu.memory_space<vmem_shared>>) target(%dma_start3A_141 : memref<96x48xf32, #tpu.memory_space<vmem>>) offsets(%dma_start3A_143 : memref<96xi32, #tpu.memory_space<vmem>>) semaphore(%arg7 : memref<!tpu.dma_semaphore, #tpu.memory_space<semaphore_mem>>)
    %dma_start3A_147 = arith.constant 384 : i32
    %dma_start3A_148 = arith.constant 0 : i32
    %dma_start3A_149 = tpu.memref_slice %arg22[%dma_start3A_147, %dma_start3A_148] : memref<480x48xf32, #tpu.memory_space<vmem>> -> memref<96x48xf32, #tpu.memory_space<vmem>>
    %dma_start3A_150 = arith.constant 384 : i32
    %dma_start3A_151 = tpu.memref_slice %arg12[%dma_start3A_150] : memref<480xi32, #tpu.memory_space<vmem>> -> memref<96xi32, #tpu.memory_space<vmem>>
    %dma_start3A_152 = arith.constant 0 : i32
    %dma_start3A_153 = arith.constant 0 : i32
    %dma_start3A_154 = tpu.memref_slice %arg25[%dma_start3A_152, %dma_start3A_153] : memref<2016x48xf32, #tpu.memory_space<vmem_shared>> -> memref<2016x48xf32, #tpu.memory_space<vmem_shared>>
    tpu.enqueue_indirect_dma source(%dma_start3A_154 : memref<2016x48xf32, #tpu.memory_space<vmem_shared>>) target(%dma_start3A_149 : memref<96x48xf32, #tpu.memory_space<vmem>>) offsets(%dma_start3A_151 : memref<96xi32, #tpu.memory_space<vmem>>) semaphore(%arg7 : memref<!tpu.dma_semaphore, #tpu.memory_space<semaphore_mem>>)
    %dma_wait3A_155 = arith.constant 0 : i32
    %dma_wait3A_156 = arith.constant 0 : i32
    %dma_wait3A_157 = tpu.memref_slice %arg20[%dma_wait3A_155, %dma_wait3A_156] : memref<480x48xf32, #tpu.memory_space<vmem>> -> memref<96x48xf32, #tpu.memory_space<vmem>>
    %dma_wait3A_158 = arith.constant 0 : i32
    %dma_wait3A_159 = tpu.memref_slice %arg10[%dma_wait3A_158] : memref<480xi32, #tpu.memory_space<vmem>> -> memref<96xi32, #tpu.memory_space<vmem>>
    %dma_wait3A_160 = arith.constant 0 : i32
    %dma_wait3A_161 = arith.constant 0 : i32
    %dma_wait3A_162 = tpu.memref_slice %arg25[%dma_wait3A_160, %dma_wait3A_161] : memref<2016x48xf32, #tpu.memory_space<vmem_shared>> -> memref<2016x48xf32, #tpu.memory_space<vmem_shared>>
    tpu.wait_indirect_dma semaphore(%arg5 : memref<!tpu.dma_semaphore, #tpu.memory_space<semaphore_mem>>) src(%dma_wait3A_162 : memref<2016x48xf32, #tpu.memory_space<vmem_shared>>) dst(%dma_wait3A_157 : memref<96x48xf32, #tpu.memory_space<vmem>>)
    %dma_wait3A_163 = arith.constant 96 : i32
    %dma_wait3A_164 = arith.constant 0 : i32
    %dma_wait3A_165 = tpu.memref_slice %arg20[%dma_wait3A_163, %dma_wait3A_164] : memref<480x48xf32, #tpu.memory_space<vmem>> -> memref<96x48xf32, #tpu.memory_space<vmem>>
    %dma_wait3A_166 = arith.constant 96 : i32
    %dma_wait3A_167 = tpu.memref_slice %arg10[%dma_wait3A_166] : memref<480xi32, #tpu.memory_space<vmem>> -> memref<96xi32, #tpu.memory_space<vmem>>
    %dma_wait3A_168 = arith.constant 0 : i32
    %dma_wait3A_169 = arith.constant 0 : i32
    %dma_wait3A_170 = tpu.memref_slice %arg25[%dma_wait3A_168, %dma_wait3A_169] : memref<2016x48xf32, #tpu.memory_space<vmem_shared>> -> memref<2016x48xf32, #tpu.memory_space<vmem_shared>>
    tpu.wait_indirect_dma semaphore(%arg5 : memref<!tpu.dma_semaphore, #tpu.memory_space<semaphore_mem>>) src(%dma_wait3A_170 : memref<2016x48xf32, #tpu.memory_space<vmem_shared>>) dst(%dma_wait3A_165 : memref<96x48xf32, #tpu.memory_space<vmem>>)
    %dma_wait3A_171 = arith.constant 192 : i32
    %dma_wait3A_172 = arith.constant 0 : i32
    %dma_wait3A_173 = tpu.memref_slice %arg20[%dma_wait3A_171, %dma_wait3A_172] : memref<480x48xf32, #tpu.memory_space<vmem>> -> memref<96x48xf32, #tpu.memory_space<vmem>>
    %dma_wait3A_174 = arith.constant 192 : i32
    %dma_wait3A_175 = tpu.memref_slice %arg10[%dma_wait3A_174] : memref<480xi32, #tpu.memory_space<vmem>> -> memref<96xi32, #tpu.memory_space<vmem>>
    %dma_wait3A_176 = arith.constant 0 : i32
    %dma_wait3A_177 = arith.constant 0 : i32
    %dma_wait3A_178 = tpu.memref_slice %arg25[%dma_wait3A_176, %dma_wait3A_177] : memref<2016x48xf32, #tpu.memory_space<vmem_shared>> -> memref<2016x48xf32, #tpu.memory_space<vmem_shared>>
    tpu.wait_indirect_dma semaphore(%arg5 : memref<!tpu.dma_semaphore, #tpu.memory_space<semaphore_mem>>) src(%dma_wait3A_178 : memref<2016x48xf32, #tpu.memory_space<vmem_shared>>) dst(%dma_wait3A_173 : memref<96x48xf32, #tpu.memory_space<vmem>>)
    %dma_wait3A_179 = arith.constant 288 : i32
    %dma_wait3A_180 = arith.constant 0 : i32
    %dma_wait3A_181 = tpu.memref_slice %arg20[%dma_wait3A_179, %dma_wait3A_180] : memref<480x48xf32, #tpu.memory_space<vmem>> -> memref<96x48xf32, #tpu.memory_space<vmem>>
    %dma_wait3A_182 = arith.constant 288 : i32
    %dma_wait3A_183 = tpu.memref_slice %arg10[%dma_wait3A_182] : memref<480xi32, #tpu.memory_space<vmem>> -> memref<96xi32, #tpu.memory_space<vmem>>
    %dma_wait3A_184 = arith.constant 0 : i32
    %dma_wait3A_185 = arith.constant 0 : i32
    %dma_wait3A_186 = tpu.memref_slice %arg25[%dma_wait3A_184, %dma_wait3A_185] : memref<2016x48xf32, #tpu.memory_space<vmem_shared>> -> memref<2016x48xf32, #tpu.memory_space<vmem_shared>>
    tpu.wait_indirect_dma semaphore(%arg5 : memref<!tpu.dma_semaphore, #tpu.memory_space<semaphore_mem>>) src(%dma_wait3A_186 : memref<2016x48xf32, #tpu.memory_space<vmem_shared>>) dst(%dma_wait3A_181 : memref<96x48xf32, #tpu.memory_space<vmem>>)
    %dma_wait3A_187 = arith.constant 384 : i32
    %dma_wait3A_188 = arith.constant 0 : i32
    %dma_wait3A_189 = tpu.memref_slice %arg20[%dma_wait3A_187, %dma_wait3A_188] : memref<480x48xf32, #tpu.memory_space<vmem>> -> memref<96x48xf32, #tpu.memory_space<vmem>>
    %dma_wait3A_190 = arith.constant 384 : i32
    %dma_wait3A_191 = tpu.memref_slice %arg10[%dma_wait3A_190] : memref<480xi32, #tpu.memory_space<vmem>> -> memref<96xi32, #tpu.memory_space<vmem>>
    %dma_wait3A_192 = arith.constant 0 : i32
    %dma_wait3A_193 = arith.constant 0 : i32
    %dma_wait3A_194 = tpu.memref_slice %arg25[%dma_wait3A_192, %dma_wait3A_193] : memref<2016x48xf32, #tpu.memory_space<vmem_shared>> -> memref<2016x48xf32, #tpu.memory_space<vmem_shared>>
    tpu.wait_indirect_dma semaphore(%arg5 : memref<!tpu.dma_semaphore, #tpu.memory_space<semaphore_mem>>) src(%dma_wait3A_194 : memref<2016x48xf32, #tpu.memory_space<vmem_shared>>) dst(%dma_wait3A_189 : memref<96x48xf32, #tpu.memory_space<vmem>>)
    %add3A_195 = arith.constant 0 : i32
    %add3A_196 = arith.addi %mul3A_2, %add3A_195 : i32
    %dma_start3A_197 = arith.constant 0 : i32
    %dma_start3A_198 = tpu.memref_slice %arg4[%add3A_196, %dma_start3A_197] : memref<768000x128xf32, #tpu.memory_space<hbm>> -> memref<480x48xf32, #tpu.memory_space<hbm>>
    %dma_start3A_199 = arith.constant 0 : i32
    %dma_start3A_200 = tpu.memref_slice %arg4[%add3A_196, %dma_start3A_199] : memref<768000x128xf32, #tpu.memory_space<hbm>> -> memref<480x48xf32, #tpu.memory_space<hbm>>
    tpu.enqueue_dma source(%arg20 : memref<480x48xf32, #tpu.memory_space<vmem>>) target(%dma_start3A_200 : memref<480x48xf32, #tpu.memory_space<hbm>>) target_semaphore(%arg15 : memref<!tpu.dma_semaphore, #tpu.memory_space<semaphore_mem>>)
    %add3A_201 = arith.constant 2400 : i32
    %add3A_202 = arith.addi %mul3A_2, %add3A_201 : i32
    %dma_start3A_203 = tpu.memref_slice %arg2[%add3A_202] : memref<768000xi32, #tpu.memory_space<hbm>> -> memref<480xi32, #tpu.memory_space<hbm>>
    %dma_start3A_204 = tpu.memref_slice %arg2[%add3A_202] : memref<768000xi32, #tpu.memory_space<hbm>> -> memref<480xi32, #tpu.memory_space<hbm>>
    tpu.enqueue_dma source(%dma_start3A_204 : memref<480xi32, #tpu.memory_space<hbm>>) target(%arg10 : memref<480xi32, #tpu.memory_space<vmem>>) target_semaphore(%arg26 : memref<!tpu.dma_semaphore, #tpu.memory_space<semaphore_mem>>)
    %add3A_205 = arith.constant 1440 : i32
    %add3A_206 = arith.addi %mul3A_2, %add3A_205 : i32
    %dma_wait3A_207 = tpu.memref_slice %arg2[%add3A_206] : memref<768000xi32, #tpu.memory_space<hbm>> -> memref<480xi32, #tpu.memory_space<hbm>>
    %dma_wait3A_208 = tpu.memref_slice %arg2[%add3A_206] : memref<768000xi32, #tpu.memory_space<hbm>> -> memref<480xi32, #tpu.memory_space<hbm>>
    tpu.wait_dma2 semaphore(%arg29 : memref<!tpu.dma_semaphore, #tpu.memory_space<semaphore_mem>>) src(%dma_wait3A_208 : memref<480xi32, #tpu.memory_space<hbm>>) dst(%arg13 : memref<480xi32, #tpu.memory_space<vmem>>)
    %dma_start3A_209 = arith.constant 0 : i32
    %dma_start3A_210 = arith.constant 0 : i32
    %dma_start3A_211 = tpu.memref_slice %arg23[%dma_start3A_209, %dma_start3A_210] : memref<480x48xf32, #tpu.memory_space<vmem>> -> memref<96x48xf32, #tpu.memory_space<vmem>>
    %dma_start3A_212 = arith.constant 0 : i32
    %dma_start3A_213 = tpu.memref_slice %arg13[%dma_start3A_212] : memref<480xi32, #tpu.memory_space<vmem>> -> memref<96xi32, #tpu.memory_space<vmem>>
    %dma_start3A_214 = arith.constant 0 : i32
    %dma_start3A_215 = arith.constant 0 : i32
    %dma_start3A_216 = tpu.memref_slice %arg25[%dma_start3A_214, %dma_start3A_215] : memref<2016x48xf32, #tpu.memory_space<vmem_shared>> -> memref<2016x48xf32, #tpu.memory_space<vmem_shared>>
    tpu.enqueue_indirect_dma source(%dma_start3A_216 : memref<2016x48xf32, #tpu.memory_space<vmem_shared>>) target(%dma_start3A_211 : memref<96x48xf32, #tpu.memory_space<vmem>>) offsets(%dma_start3A_213 : memref<96xi32, #tpu.memory_space<vmem>>) semaphore(%arg8 : memref<!tpu.dma_semaphore, #tpu.memory_space<semaphore_mem>>)
    %dma_start3A_217 = arith.constant 96 : i32
    %dma_start3A_218 = arith.constant 0 : i32
    %dma_start3A_219 = tpu.memref_slice %arg23[%dma_start3A_217, %dma_start3A_218] : memref<480x48xf32, #tpu.memory_space<vmem>> -> memref<96x48xf32, #tpu.memory_space<vmem>>
    %dma_start3A_220 = arith.constant 96 : i32
    %dma_start3A_221 = tpu.memref_slice %arg13[%dma_start3A_220] : memref<480xi32, #tpu.memory_space<vmem>> -> memref<96xi32, #tpu.memory_space<vmem>>
    %dma_start3A_222 = arith.constant 0 : i32
    %dma_start3A_223 = arith.constant 0 : i32
    %dma_start3A_224 = tpu.memref_slice %arg25[%dma_start3A_222, %dma_start3A_223] : memref<2016x48xf32, #tpu.memory_space<vmem_shared>> -> memref<2016x48xf32, #tpu.memory_space<vmem_shared>>
    tpu.enqueue_indirect_dma source(%dma_start3A_224 : memref<2016x48xf32, #tpu.memory_space<vmem_shared>>) target(%dma_start3A_219 : memref<96x48xf32, #tpu.memory_space<vmem>>) offsets(%dma_start3A_221 : memref<96xi32, #tpu.memory_space<vmem>>) semaphore(%arg8 : memref<!tpu.dma_semaphore, #tpu.memory_space<semaphore_mem>>)
    %dma_start3A_225 = arith.constant 192 : i32
    %dma_start3A_226 = arith.constant 0 : i32
    %dma_start3A_227 = tpu.memref_slice %arg23[%dma_start3A_225, %dma_start3A_226] : memref<480x48xf32, #tpu.memory_space<vmem>> -> memref<96x48xf32, #tpu.memory_space<vmem>>
    %dma_start3A_228 = arith.constant 192 : i32
    %dma_start3A_229 = tpu.memref_slice %arg13[%dma_start3A_228] : memref<480xi32, #tpu.memory_space<vmem>> -> memref<96xi32, #tpu.memory_space<vmem>>
    %dma_start3A_230 = arith.constant 0 : i32
    %dma_start3A_231 = arith.constant 0 : i32
    %dma_start3A_232 = tpu.memref_slice %arg25[%dma_start3A_230, %dma_start3A_231] : memref<2016x48xf32, #tpu.memory_space<vmem_shared>> -> memref<2016x48xf32, #tpu.memory_space<vmem_shared>>
    tpu.enqueue_indirect_dma source(%dma_start3A_232 : memref<2016x48xf32, #tpu.memory_space<vmem_shared>>) target(%dma_start3A_227 : memref<96x48xf32, #tpu.memory_space<vmem>>) offsets(%dma_start3A_229 : memref<96xi32, #tpu.memory_space<vmem>>) semaphore(%arg8 : memref<!tpu.dma_semaphore, #tpu.memory_space<semaphore_mem>>)
    %dma_start3A_233 = arith.constant 288 : i32
    %dma_start3A_234 = arith.constant 0 : i32
    %dma_start3A_235 = tpu.memref_slice %arg23[%dma_start3A_233, %dma_start3A_234] : memref<480x48xf32, #tpu.memory_space<vmem>> -> memref<96x48xf32, #tpu.memory_space<vmem>>
    %dma_start3A_236 = arith.constant 288 : i32
    %dma_start3A_237 = tpu.memref_slice %arg13[%dma_start3A_236] : memref<480xi32, #tpu.memory_space<vmem>> -> memref<96xi32, #tpu.memory_space<vmem>>
    %dma_start3A_238 = arith.constant 0 : i32
    %dma_start3A_239 = arith.constant 0 : i32
    %dma_start3A_240 = tpu.memref_slice %arg25[%dma_start3A_238, %dma_start3A_239] : memref<2016x48xf32, #tpu.memory_space<vmem_shared>> -> memref<2016x48xf32, #tpu.memory_space<vmem_shared>>
    tpu.enqueue_indirect_dma source(%dma_start3A_240 : memref<2016x48xf32, #tpu.memory_space<vmem_shared>>) target(%dma_start3A_235 : memref<96x48xf32, #tpu.memory_space<vmem>>) offsets(%dma_start3A_237 : memref<96xi32, #tpu.memory_space<vmem>>) semaphore(%arg8 : memref<!tpu.dma_semaphore, #tpu.memory_space<semaphore_mem>>)
    %dma_start3A_241 = arith.constant 384 : i32
    %dma_start3A_242 = arith.constant 0 : i32
    %dma_start3A_243 = tpu.memref_slice %arg23[%dma_start3A_241, %dma_start3A_242] : memref<480x48xf32, #tpu.memory_space<vmem>> -> memref<96x48xf32, #tpu.memory_space<vmem>>
    %dma_start3A_244 = arith.constant 384 : i32
    %dma_start3A_245 = tpu.memref_slice %arg13[%dma_start3A_244] : memref<480xi32, #tpu.memory_space<vmem>> -> memref<96xi32, #tpu.memory_space<vmem>>
    %dma_start3A_246 = arith.constant 0 : i32
    %dma_start3A_247 = arith.constant 0 : i32
    %dma_start3A_248 = tpu.memref_slice %arg25[%dma_start3A_246, %dma_start3A_247] : memref<2016x48xf32, #tpu.memory_space<vmem_shared>> -> memref<2016x48xf32, #tpu.memory_space<vmem_shared>>
    tpu.enqueue_indirect_dma source(%dma_start3A_248 : memref<2016x48xf32, #tpu.memory_space<vmem_shared>>) target(%dma_start3A_243 : memref<96x48xf32, #tpu.memory_space<vmem>>) offsets(%dma_start3A_245 : memref<96xi32, #tpu.memory_space<vmem>>) semaphore(%arg8 : memref<!tpu.dma_semaphore, #tpu.memory_space<semaphore_mem>>)
    %dma_wait3A_249 = arith.constant 0 : i32
    %dma_wait3A_250 = arith.constant 0 : i32
    %dma_wait3A_251 = tpu.memref_slice %arg21[%dma_wait3A_249, %dma_wait3A_250] : memref<480x48xf32, #tpu.memory_space<vmem>> -> memref<96x48xf32, #tpu.memory_space<vmem>>
    %dma_wait3A_252 = arith.constant 0 : i32
    %dma_wait3A_253 = tpu.memref_slice %arg11[%dma_wait3A_252] : memref<480xi32, #tpu.memory_space<vmem>> -> memref<96xi32, #tpu.memory_space<vmem>>
    %dma_wait3A_254 = arith.constant 0 : i32
    %dma_wait3A_255 = arith.constant 0 : i32
    %dma_wait3A_256 = tpu.memref_slice %arg25[%dma_wait3A_254, %dma_wait3A_255] : memref<2016x48xf32, #tpu.memory_space<vmem_shared>> -> memref<2016x48xf32, #tpu.memory_space<vmem_shared>>
    tpu.wait_indirect_dma semaphore(%arg6 : memref<!tpu.dma_semaphore, #tpu.memory_space<semaphore_mem>>) src(%dma_wait3A_256 : memref<2016x48xf32, #tpu.memory_space<vmem_shared>>) dst(%dma_wait3A_251 : memref<96x48xf32, #tpu.memory_space<vmem>>)
    %dma_wait3A_257 = arith.constant 96 : i32
    %dma_wait3A_258 = arith.constant 0 : i32
    %dma_wait3A_259 = tpu.memref_slice %arg21[%dma_wait3A_257, %dma_wait3A_258] : memref<480x48xf32, #tpu.memory_space<vmem>> -> memref<96x48xf32, #tpu.memory_space<vmem>>
    %dma_wait3A_260 = arith.constant 96 : i32
    %dma_wait3A_261 = tpu.memref_slice %arg11[%dma_wait3A_260] : memref<480xi32, #tpu.memory_space<vmem>> -> memref<96xi32, #tpu.memory_space<vmem>>
    %dma_wait3A_262 = arith.constant 0 : i32
    %dma_wait3A_263 = arith.constant 0 : i32
    %dma_wait3A_264 = tpu.memref_slice %arg25[%dma_wait3A_262, %dma_wait3A_263] : memref<2016x48xf32, #tpu.memory_space<vmem_shared>> -> memref<2016x48xf32, #tpu.memory_space<vmem_shared>>
    tpu.wait_indirect_dma semaphore(%arg6 : memref<!tpu.dma_semaphore, #tpu.memory_space<semaphore_mem>>) src(%dma_wait3A_264 : memref<2016x48xf32, #tpu.memory_space<vmem_shared>>) dst(%dma_wait3A_259 : memref<96x48xf32, #tpu.memory_space<vmem>>)
    %dma_wait3A_265 = arith.constant 192 : i32
    %dma_wait3A_266 = arith.constant 0 : i32
    %dma_wait3A_267 = tpu.memref_slice %arg21[%dma_wait3A_265, %dma_wait3A_266] : memref<480x48xf32, #tpu.memory_space<vmem>> -> memref<96x48xf32, #tpu.memory_space<vmem>>
    %dma_wait3A_268 = arith.constant 192 : i32
    %dma_wait3A_269 = tpu.memref_slice %arg11[%dma_wait3A_268] : memref<480xi32, #tpu.memory_space<vmem>> -> memref<96xi32, #tpu.memory_space<vmem>>
    %dma_wait3A_270 = arith.constant 0 : i32
    %dma_wait3A_271 = arith.constant 0 : i32
    %dma_wait3A_272 = tpu.memref_slice %arg25[%dma_wait3A_270, %dma_wait3A_271] : memref<2016x48xf32, #tpu.memory_space<vmem_shared>> -> memref<2016x48xf32, #tpu.memory_space<vmem_shared>>
    tpu.wait_indirect_dma semaphore(%arg6 : memref<!tpu.dma_semaphore, #tpu.memory_space<semaphore_mem>>) src(%dma_wait3A_272 : memref<2016x48xf32, #tpu.memory_space<vmem_shared>>) dst(%dma_wait3A_267 : memref<96x48xf32, #tpu.memory_space<vmem>>)
    %dma_wait3A_273 = arith.constant 288 : i32
    %dma_wait3A_274 = arith.constant 0 : i32
    %dma_wait3A_275 = tpu.memref_slice %arg21[%dma_wait3A_273, %dma_wait3A_274] : memref<480x48xf32, #tpu.memory_space<vmem>> -> memref<96x48xf32, #tpu.memory_space<vmem>>
    %dma_wait3A_276 = arith.constant 288 : i32
    %dma_wait3A_277 = tpu.memref_slice %arg11[%dma_wait3A_276] : memref<480xi32, #tpu.memory_space<vmem>> -> memref<96xi32, #tpu.memory_space<vmem>>
    %dma_wait3A_278 = arith.constant 0 : i32
    %dma_wait3A_279 = arith.constant 0 : i32
    %dma_wait3A_280 = tpu.memref_slice %arg25[%dma_wait3A_278, %dma_wait3A_279] : memref<2016x48xf32, #tpu.memory_space<vmem_shared>> -> memref<2016x48xf32, #tpu.memory_space<vmem_shared>>
    tpu.wait_indirect_dma semaphore(%arg6 : memref<!tpu.dma_semaphore, #tpu.memory_space<semaphore_mem>>) src(%dma_wait3A_280 : memref<2016x48xf32, #tpu.memory_space<vmem_shared>>) dst(%dma_wait3A_275 : memref<96x48xf32, #tpu.memory_space<vmem>>)
    %dma_wait3A_281 = arith.constant 384 : i32
    %dma_wait3A_282 = arith.constant 0 : i32
    %dma_wait3A_283 = tpu.memref_slice %arg21[%dma_wait3A_281, %dma_wait3A_282] : memref<480x48xf32, #tpu.memory_space<vmem>> -> memref<96x48xf32, #tpu.memory_space<vmem>>
    %dma_wait3A_284 = arith.constant 384 : i32
    %dma_wait3A_285 = tpu.memref_slice %arg11[%dma_wait3A_284] : memref<480xi32, #tpu.memory_space<vmem>> -> memref<96xi32, #tpu.memory_space<vmem>>
    %dma_wait3A_286 = arith.constant 0 : i32
    %dma_wait3A_287 = arith.constant 0 : i32
    %dma_wait3A_288 = tpu.memref_slice %arg25[%dma_wait3A_286, %dma_wait3A_287] : memref<2016x48xf32, #tpu.memory_space<vmem_shared>> -> memref<2016x48xf32, #tpu.memory_space<vmem_shared>>
    tpu.wait_indirect_dma semaphore(%arg6 : memref<!tpu.dma_semaphore, #tpu.memory_space<semaphore_mem>>) src(%dma_wait3A_288 : memref<2016x48xf32, #tpu.memory_space<vmem_shared>>) dst(%dma_wait3A_283 : memref<96x48xf32, #tpu.memory_space<vmem>>)
    %add3A_289 = arith.constant 480 : i32
    %add3A_290 = arith.addi %mul3A_2, %add3A_289 : i32
    %dma_start3A_291 = arith.constant 0 : i32
    %dma_start3A_292 = tpu.memref_slice %arg4[%add3A_290, %dma_start3A_291] : memref<768000x128xf32, #tpu.memory_space<hbm>> -> memref<480x48xf32, #tpu.memory_space<hbm>>
    %dma_start3A_293 = arith.constant 0 : i32
    %dma_start3A_294 = tpu.memref_slice %arg4[%add3A_290, %dma_start3A_293] : memref<768000x128xf32, #tpu.memory_space<hbm>> -> memref<480x48xf32, #tpu.memory_space<hbm>>
    tpu.enqueue_dma source(%arg21 : memref<480x48xf32, #tpu.memory_space<vmem>>) target(%dma_start3A_294 : memref<480x48xf32, #tpu.memory_space<hbm>>) target_semaphore(%arg16 : memref<!tpu.dma_semaphore, #tpu.memory_space<semaphore_mem>>)
    %add3A_295 = arith.constant 2880 : i32
    %add3A_296 = arith.addi %mul3A_2, %add3A_295 : i32
    %dma_start3A_297 = tpu.memref_slice %arg2[%add3A_296] : memref<768000xi32, #tpu.memory_space<hbm>> -> memref<480xi32, #tpu.memory_space<hbm>>
    %dma_start3A_298 = tpu.memref_slice %arg2[%add3A_296] : memref<768000xi32, #tpu.memory_space<hbm>> -> memref<480xi32, #tpu.memory_space<hbm>>
    tpu.enqueue_dma source(%dma_start3A_298 : memref<480xi32, #tpu.memory_space<hbm>>) target(%arg11 : memref<480xi32, #tpu.memory_space<vmem>>) target_semaphore(%arg27 : memref<!tpu.dma_semaphore, #tpu.memory_space<semaphore_mem>>)
    %add3A_299 = arith.constant 1920 : i32
    %add3A_300 = arith.addi %mul3A_2, %add3A_299 : i32
    %dma_wait3A_301 = tpu.memref_slice %arg2[%add3A_300] : memref<768000xi32, #tpu.memory_space<hbm>> -> memref<480xi32, #tpu.memory_space<hbm>>
    %dma_wait3A_302 = tpu.memref_slice %arg2[%add3A_300] : memref<768000xi32, #tpu.memory_space<hbm>> -> memref<480xi32, #tpu.memory_space<hbm>>
    tpu.wait_dma2 semaphore(%arg30 : memref<!tpu.dma_semaphore, #tpu.memory_space<semaphore_mem>>) src(%dma_wait3A_302 : memref<480xi32, #tpu.memory_space<hbm>>) dst(%arg14 : memref<480xi32, #tpu.memory_space<vmem>>)
    %dma_start3A_303 = arith.constant 0 : i32
    %dma_start3A_304 = arith.constant 0 : i32
    %dma_start3A_305 = tpu.memref_slice %arg24[%dma_start3A_303, %dma_start3A_304] : memref<480x48xf32, #tpu.memory_space<vmem>> -> memref<96x48xf32, #tpu.memory_space<vmem>>
    %dma_start3A_306 = arith.constant 0 : i32
    %dma_start3A_307 = tpu.memref_slice %arg14[%dma_start3A_306] : memref<480xi32, #tpu.memory_space<vmem>> -> memref<96xi32, #tpu.memory_space<vmem>>
    %dma_start3A_308 = arith.constant 0 : i32
    %dma_start3A_309 = arith.constant 0 : i32
    %dma_start3A_310 = tpu.memref_slice %arg25[%dma_start3A_308, %dma_start3A_309] : memref<2016x48xf32, #tpu.memory_space<vmem_shared>> -> memref<2016x48xf32, #tpu.memory_space<vmem_shared>>
    tpu.enqueue_indirect_dma source(%dma_start3A_310 : memref<2016x48xf32, #tpu.memory_space<vmem_shared>>) target(%dma_start3A_305 : memref<96x48xf32, #tpu.memory_space<vmem>>) offsets(%dma_start3A_307 : memref<96xi32, #tpu.memory_space<vmem>>) semaphore(%arg9 : memref<!tpu.dma_semaphore, #tpu.memory_space<semaphore_mem>>)
    %dma_start3A_311 = arith.constant 96 : i32
    %dma_start3A_312 = arith.constant 0 : i32
    %dma_start3A_313 = tpu.memref_slice %arg24[%dma_start3A_311, %dma_start3A_312] : memref<480x48xf32, #tpu.memory_space<vmem>> -> memref<96x48xf32, #tpu.memory_space<vmem>>
    %dma_start3A_314 = arith.constant 96 : i32
    %dma_start3A_315 = tpu.memref_slice %arg14[%dma_start3A_314] : memref<480xi32, #tpu.memory_space<vmem>> -> memref<96xi32, #tpu.memory_space<vmem>>
    %dma_start3A_316 = arith.constant 0 : i32
    %dma_start3A_317 = arith.constant 0 : i32
    %dma_start3A_318 = tpu.memref_slice %arg25[%dma_start3A_316, %dma_start3A_317] : memref<2016x48xf32, #tpu.memory_space<vmem_shared>> -> memref<2016x48xf32, #tpu.memory_space<vmem_shared>>
    tpu.enqueue_indirect_dma source(%dma_start3A_318 : memref<2016x48xf32, #tpu.memory_space<vmem_shared>>) target(%dma_start3A_313 : memref<96x48xf32, #tpu.memory_space<vmem>>) offsets(%dma_start3A_315 : memref<96xi32, #tpu.memory_space<vmem>>) semaphore(%arg9 : memref<!tpu.dma_semaphore, #tpu.memory_space<semaphore_mem>>)
    %dma_start3A_319 = arith.constant 192 : i32
    %dma_start3A_320 = arith.constant 0 : i32
    %dma_start3A_321 = tpu.memref_slice %arg24[%dma_start3A_319, %dma_start3A_320] : memref<480x48xf32, #tpu.memory_space<vmem>> -> memref<96x48xf32, #tpu.memory_space<vmem>>
    %dma_start3A_322 = arith.constant 192 : i32
    %dma_start3A_323 = tpu.memref_slice %arg14[%dma_start3A_322] : memref<480xi32, #tpu.memory_space<vmem>> -> memref<96xi32, #tpu.memory_space<vmem>>
    %dma_start3A_324 = arith.constant 0 : i32
    %dma_start3A_325 = arith.constant 0 : i32
    %dma_start3A_326 = tpu.memref_slice %arg25[%dma_start3A_324, %dma_start3A_325] : memref<2016x48xf32, #tpu.memory_space<vmem_shared>> -> memref<2016x48xf32, #tpu.memory_space<vmem_shared>>
    tpu.enqueue_indirect_dma source(%dma_start3A_326 : memref<2016x48xf32, #tpu.memory_space<vmem_shared>>) target(%dma_start3A_321 : memref<96x48xf32, #tpu.memory_space<vmem>>) offsets(%dma_start3A_323 : memref<96xi32, #tpu.memory_space<vmem>>) semaphore(%arg9 : memref<!tpu.dma_semaphore, #tpu.memory_space<semaphore_mem>>)
    %dma_start3A_327 = arith.constant 288 : i32
    %dma_start3A_328 = arith.constant 0 : i32
    %dma_start3A_329 = tpu.memref_slice %arg24[%dma_start3A_327, %dma_start3A_328] : memref<480x48xf32, #tpu.memory_space<vmem>> -> memref<96x48xf32, #tpu.memory_space<vmem>>
    %dma_start3A_330 = arith.constant 288 : i32
    %dma_start3A_331 = tpu.memref_slice %arg14[%dma_start3A_330] : memref<480xi32, #tpu.memory_space<vmem>> -> memref<96xi32, #tpu.memory_space<vmem>>
    %dma_start3A_332 = arith.constant 0 : i32
    %dma_start3A_333 = arith.constant 0 : i32
    %dma_start3A_334 = tpu.memref_slice %arg25[%dma_start3A_332, %dma_start3A_333] : memref<2016x48xf32, #tpu.memory_space<vmem_shared>> -> memref<2016x48xf32, #tpu.memory_space<vmem_shared>>
    tpu.enqueue_indirect_dma source(%dma_start3A_334 : memref<2016x48xf32, #tpu.memory_space<vmem_shared>>) target(%dma_start3A_329 : memref<96x48xf32, #tpu.memory_space<vmem>>) offsets(%dma_start3A_331 : memref<96xi32, #tpu.memory_space<vmem>>) semaphore(%arg9 : memref<!tpu.dma_semaphore, #tpu.memory_space<semaphore_mem>>)
    %dma_start3A_335 = arith.constant 384 : i32
    %dma_start3A_336 = arith.constant 0 : i32
    %dma_start3A_337 = tpu.memref_slice %arg24[%dma_start3A_335, %dma_start3A_336] : memref<480x48xf32, #tpu.memory_space<vmem>> -> memref<96x48xf32, #tpu.memory_space<vmem>>
    %dma_start3A_338 = arith.constant 384 : i32
    %dma_start3A_339 = tpu.memref_slice %arg14[%dma_start3A_338] : memref<480xi32, #tpu.memory_space<vmem>> -> memref<96xi32, #tpu.memory_space<vmem>>
    %dma_start3A_340 = arith.constant 0 : i32
    %dma_start3A_341 = arith.constant 0 : i32
    %dma_start3A_342 = tpu.memref_slice %arg25[%dma_start3A_340, %dma_start3A_341] : memref<2016x48xf32, #tpu.memory_space<vmem_shared>> -> memref<2016x48xf32, #tpu.memory_space<vmem_shared>>
    tpu.enqueue_indirect_dma source(%dma_start3A_342 : memref<2016x48xf32, #tpu.memory_space<vmem_shared>>) target(%dma_start3A_337 : memref<96x48xf32, #tpu.memory_space<vmem>>) offsets(%dma_start3A_339 : memref<96xi32, #tpu.memory_space<vmem>>) semaphore(%arg9 : memref<!tpu.dma_semaphore, #tpu.memory_space<semaphore_mem>>)
    %dma_wait3A_343 = arith.constant 0 : i32
    %dma_wait3A_344 = arith.constant 0 : i32
    %dma_wait3A_345 = tpu.memref_slice %arg22[%dma_wait3A_343, %dma_wait3A_344] : memref<480x48xf32, #tpu.memory_space<vmem>> -> memref<96x48xf32, #tpu.memory_space<vmem>>
    %dma_wait3A_346 = arith.constant 0 : i32
    %dma_wait3A_347 = tpu.memref_slice %arg12[%dma_wait3A_346] : memref<480xi32, #tpu.memory_space<vmem>> -> memref<96xi32, #tpu.memory_space<vmem>>
    %dma_wait3A_348 = arith.constant 0 : i32
    %dma_wait3A_349 = arith.constant 0 : i32
    %dma_wait3A_350 = tpu.memref_slice %arg25[%dma_wait3A_348, %dma_wait3A_349] : memref<2016x48xf32, #tpu.memory_space<vmem_shared>> -> memref<2016x48xf32, #tpu.memory_space<vmem_shared>>
    tpu.wait_indirect_dma semaphore(%arg7 : memref<!tpu.dma_semaphore, #tpu.memory_space<semaphore_mem>>) src(%dma_wait3A_350 : memref<2016x48xf32, #tpu.memory_space<vmem_shared>>) dst(%dma_wait3A_345 : memref<96x48xf32, #tpu.memory_space<vmem>>)
    %dma_wait3A_351 = arith.constant 96 : i32
    %dma_wait3A_352 = arith.constant 0 : i32
    %dma_wait3A_353 = tpu.memref_slice %arg22[%dma_wait3A_351, %dma_wait3A_352] : memref<480x48xf32, #tpu.memory_space<vmem>> -> memref<96x48xf32, #tpu.memory_space<vmem>>
    %dma_wait3A_354 = arith.constant 96 : i32
    %dma_wait3A_355 = tpu.memref_slice %arg12[%dma_wait3A_354] : memref<480xi32, #tpu.memory_space<vmem>> -> memref<96xi32, #tpu.memory_space<vmem>>
    %dma_wait3A_356 = arith.constant 0 : i32
    %dma_wait3A_357 = arith.constant 0 : i32
    %dma_wait3A_358 = tpu.memref_slice %arg25[%dma_wait3A_356, %dma_wait3A_357] : memref<2016x48xf32, #tpu.memory_space<vmem_shared>> -> memref<2016x48xf32, #tpu.memory_space<vmem_shared>>
    tpu.wait_indirect_dma semaphore(%arg7 : memref<!tpu.dma_semaphore, #tpu.memory_space<semaphore_mem>>) src(%dma_wait3A_358 : memref<2016x48xf32, #tpu.memory_space<vmem_shared>>) dst(%dma_wait3A_353 : memref<96x48xf32, #tpu.memory_space<vmem>>)
    %dma_wait3A_359 = arith.constant 192 : i32
    %dma_wait3A_360 = arith.constant 0 : i32
    %dma_wait3A_361 = tpu.memref_slice %arg22[%dma_wait3A_359, %dma_wait3A_360] : memref<480x48xf32, #tpu.memory_space<vmem>> -> memref<96x48xf32, #tpu.memory_space<vmem>>
    %dma_wait3A_362 = arith.constant 192 : i32
    %dma_wait3A_363 = tpu.memref_slice %arg12[%dma_wait3A_362] : memref<480xi32, #tpu.memory_space<vmem>> -> memref<96xi32, #tpu.memory_space<vmem>>
    %dma_wait3A_364 = arith.constant 0 : i32
    %dma_wait3A_365 = arith.constant 0 : i32
    %dma_wait3A_366 = tpu.memref_slice %arg25[%dma_wait3A_364, %dma_wait3A_365] : memref<2016x48xf32, #tpu.memory_space<vmem_shared>> -> memref<2016x48xf32, #tpu.memory_space<vmem_shared>>
    tpu.wait_indirect_dma semaphore(%arg7 : memref<!tpu.dma_semaphore, #tpu.memory_space<semaphore_mem>>) src(%dma_wait3A_366 : memref<2016x48xf32, #tpu.memory_space<vmem_shared>>) dst(%dma_wait3A_361 : memref<96x48xf32, #tpu.memory_space<vmem>>)
    %dma_wait3A_367 = arith.constant 288 : i32
    %dma_wait3A_368 = arith.constant 0 : i32
    %dma_wait3A_369 = tpu.memref_slice %arg22[%dma_wait3A_367, %dma_wait3A_368] : memref<480x48xf32, #tpu.memory_space<vmem>> -> memref<96x48xf32, #tpu.memory_space<vmem>>
    %dma_wait3A_370 = arith.constant 288 : i32
    %dma_wait3A_371 = tpu.memref_slice %arg12[%dma_wait3A_370] : memref<480xi32, #tpu.memory_space<vmem>> -> memref<96xi32, #tpu.memory_space<vmem>>
    %dma_wait3A_372 = arith.constant 0 : i32
    %dma_wait3A_373 = arith.constant 0 : i32
    %dma_wait3A_374 = tpu.memref_slice %arg25[%dma_wait3A_372, %dma_wait3A_373] : memref<2016x48xf32, #tpu.memory_space<vmem_shared>> -> memref<2016x48xf32, #tpu.memory_space<vmem_shared>>
    tpu.wait_indirect_dma semaphore(%arg7 : memref<!tpu.dma_semaphore, #tpu.memory_space<semaphore_mem>>) src(%dma_wait3A_374 : memref<2016x48xf32, #tpu.memory_space<vmem_shared>>) dst(%dma_wait3A_369 : memref<96x48xf32, #tpu.memory_space<vmem>>)
    %dma_wait3A_375 = arith.constant 384 : i32
    %dma_wait3A_376 = arith.constant 0 : i32
    %dma_wait3A_377 = tpu.memref_slice %arg22[%dma_wait3A_375, %dma_wait3A_376] : memref<480x48xf32, #tpu.memory_space<vmem>> -> memref<96x48xf32, #tpu.memory_space<vmem>>
    %dma_wait3A_378 = arith.constant 384 : i32
    %dma_wait3A_379 = tpu.memref_slice %arg12[%dma_wait3A_378] : memref<480xi32, #tpu.memory_space<vmem>> -> memref<96xi32, #tpu.memory_space<vmem>>
    %dma_wait3A_380 = arith.constant 0 : i32
    %dma_wait3A_381 = arith.constant 0 : i32
    %dma_wait3A_382 = tpu.memref_slice %arg25[%dma_wait3A_380, %dma_wait3A_381] : memref<2016x48xf32, #tpu.memory_space<vmem_shared>> -> memref<2016x48xf32, #tpu.memory_space<vmem_shared>>
    tpu.wait_indirect_dma semaphore(%arg7 : memref<!tpu.dma_semaphore, #tpu.memory_space<semaphore_mem>>) src(%dma_wait3A_382 : memref<2016x48xf32, #tpu.memory_space<vmem_shared>>) dst(%dma_wait3A_377 : memref<96x48xf32, #tpu.memory_space<vmem>>)
    %add3A_383 = arith.constant 960 : i32
    %add3A_384 = arith.addi %mul3A_2, %add3A_383 : i32
    %dma_start3A_385 = arith.constant 0 : i32
    %dma_start3A_386 = tpu.memref_slice %arg4[%add3A_384, %dma_start3A_385] : memref<768000x128xf32, #tpu.memory_space<hbm>> -> memref<480x48xf32, #tpu.memory_space<hbm>>
    %dma_start3A_387 = arith.constant 0 : i32
    %dma_start3A_388 = tpu.memref_slice %arg4[%add3A_384, %dma_start3A_387] : memref<768000x128xf32, #tpu.memory_space<hbm>> -> memref<480x48xf32, #tpu.memory_space<hbm>>
    tpu.enqueue_dma source(%arg22 : memref<480x48xf32, #tpu.memory_space<vmem>>) target(%dma_start3A_388 : memref<480x48xf32, #tpu.memory_space<hbm>>) target_semaphore(%arg17 : memref<!tpu.dma_semaphore, #tpu.memory_space<semaphore_mem>>)
    %add3A_389 = arith.constant 3360 : i32
    %add3A_390 = arith.addi %mul3A_2, %add3A_389 : i32
    %dma_start3A_391 = tpu.memref_slice %arg2[%add3A_390] : memref<768000xi32, #tpu.memory_space<hbm>> -> memref<480xi32, #tpu.memory_space<hbm>>
    %dma_start3A_392 = tpu.memref_slice %arg2[%add3A_390] : memref<768000xi32, #tpu.memory_space<hbm>> -> memref<480xi32, #tpu.memory_space<hbm>>
    tpu.enqueue_dma source(%dma_start3A_392 : memref<480xi32, #tpu.memory_space<hbm>>) target(%arg12 : memref<480xi32, #tpu.memory_space<vmem>>) target_semaphore(%arg28 : memref<!tpu.dma_semaphore, #tpu.memory_space<semaphore_mem>>)
    %scan3A = arith.constant 0 : i32
    %scan3A_393 = arith.constant 1 : i32
    %scan3A_394 = arith.constant 9 : i32
    %scan3A_395 = arith.addi %scan3A_393, %scan3A_394 : i32
    %scan3A_396 = arith.constant 1 : i32
    scf.for %scan3A_520 = %scan3A_393 to %scan3A_395 step %scan3A_396  : i32 {
      %mul3A_521 = arith.constant 5 : i32
      %mul3A_522 = arith.muli %mul3A_521, %scan3A_520 : i32
      %add3A_523 = arith.constant 0 : i32
      %add3A_524 = arith.addi %mul3A_522, %add3A_523 : i32
      %mul3A_525 = arith.constant 480 : i32
      %mul3A_526 = arith.muli %add3A_524, %mul3A_525 : i32
      %add3A_527 = arith.addi %mul3A_2, %mul3A_526 : i32
      %dma_wait3A_528 = tpu.memref_slice %arg2[%add3A_527] : memref<768000xi32, #tpu.memory_space<hbm>> -> memref<480xi32, #tpu.memory_space<hbm>>
      %dma_wait3A_529 = tpu.memref_slice %arg2[%add3A_527] : memref<768000xi32, #tpu.memory_space<hbm>> -> memref<480xi32, #tpu.memory_space<hbm>>
      tpu.wait_dma2 semaphore(%arg26 : memref<!tpu.dma_semaphore, #tpu.memory_space<semaphore_mem>>) src(%dma_wait3A_529 : memref<480xi32, #tpu.memory_space<hbm>>) dst(%arg10 : memref<480xi32, #tpu.memory_space<vmem>>)
      %sub3A = arith.constant 5 : i32
      %sub3A_530 = arith.subi %add3A_524, %sub3A : i32
      %mul3A_531 = arith.constant 480 : i32
      %mul3A_532 = arith.muli %sub3A_530, %mul3A_531 : i32
      %add3A_533 = arith.addi %mul3A_2, %mul3A_532 : i32
      %dma_wait3A_534 = arith.constant 0 : i32
      %dma_wait3A_535 = tpu.memref_slice %arg4[%add3A_533, %dma_wait3A_534] : memref<768000x128xf32, #tpu.memory_space<hbm>> -> memref<480x48xf32, #tpu.memory_space<hbm>>
      %dma_wait3A_536 = arith.constant 0 : i32
      %dma_wait3A_537 = tpu.memref_slice %arg4[%add3A_533, %dma_wait3A_536] : memref<768000x128xf32, #tpu.memory_space<hbm>> -> memref<480x48xf32, #tpu.memory_space<hbm>>
      tpu.wait_dma2 semaphore(%arg15 : memref<!tpu.dma_semaphore, #tpu.memory_space<semaphore_mem>>) src(%arg20 : memref<480x48xf32, #tpu.memory_space<vmem>>) dst(%dma_wait3A_537 : memref<480x48xf32, #tpu.memory_space<hbm>>)
      %dma_start3A_538 = arith.constant 0 : i32
      %dma_start3A_539 = arith.constant 0 : i32
      %dma_start3A_540 = tpu.memref_slice %arg20[%dma_start3A_538, %dma_start3A_539] : memref<480x48xf32, #tpu.memory_space<vmem>> -> memref<96x48xf32, #tpu.memory_space<vmem>>
      %dma_start3A_541 = arith.constant 0 : i32
      %dma_start3A_542 = tpu.memref_slice %arg10[%dma_start3A_541] : memref<480xi32, #tpu.memory_space<vmem>> -> memref<96xi32, #tpu.memory_space<vmem>>
      %dma_start3A_543 = arith.constant 0 : i32
      %dma_start3A_544 = arith.constant 0 : i32
      %dma_start3A_545 = tpu.memref_slice %arg25[%dma_start3A_543, %dma_start3A_544] : memref<2016x48xf32, #tpu.memory_space<vmem_shared>> -> memref<2016x48xf32, #tpu.memory_space<vmem_shared>>
      tpu.enqueue_indirect_dma source(%dma_start3A_545 : memref<2016x48xf32, #tpu.memory_space<vmem_shared>>) target(%dma_start3A_540 : memref<96x48xf32, #tpu.memory_space<vmem>>) offsets(%dma_start3A_542 : memref<96xi32, #tpu.memory_space<vmem>>) semaphore(%arg5 : memref<!tpu.dma_semaphore, #tpu.memory_space<semaphore_mem>>)
      %dma_start3A_546 = arith.constant 96 : i32
      %dma_start3A_547 = arith.constant 0 : i32
      %dma_start3A_548 = tpu.memref_slice %arg20[%dma_start3A_546, %dma_start3A_547] : memref<480x48xf32, #tpu.memory_space<vmem>> -> memref<96x48xf32, #tpu.memory_space<vmem>>
      %dma_start3A_549 = arith.constant 96 : i32
      %dma_start3A_550 = tpu.memref_slice %arg10[%dma_start3A_549] : memref<480xi32, #tpu.memory_space<vmem>> -> memref<96xi32, #tpu.memory_space<vmem>>
      %dma_start3A_551 = arith.constant 0 : i32
      %dma_start3A_552 = arith.constant 0 : i32
      %dma_start3A_553 = tpu.memref_slice %arg25[%dma_start3A_551, %dma_start3A_552] : memref<2016x48xf32, #tpu.memory_space<vmem_shared>> -> memref<2016x48xf32, #tpu.memory_space<vmem_shared>>
      tpu.enqueue_indirect_dma source(%dma_start3A_553 : memref<2016x48xf32, #tpu.memory_space<vmem_shared>>) target(%dma_start3A_548 : memref<96x48xf32, #tpu.memory_space<vmem>>) offsets(%dma_start3A_550 : memref<96xi32, #tpu.memory_space<vmem>>) semaphore(%arg5 : memref<!tpu.dma_semaphore, #tpu.memory_space<semaphore_mem>>)
      %dma_start3A_554 = arith.constant 192 : i32
      %dma_start3A_555 = arith.constant 0 : i32
      %dma_start3A_556 = tpu.memref_slice %arg20[%dma_start3A_554, %dma_start3A_555] : memref<480x48xf32, #tpu.memory_space<vmem>> -> memref<96x48xf32, #tpu.memory_space<vmem>>
      %dma_start3A_557 = arith.constant 192 : i32
      %dma_start3A_558 = tpu.memref_slice %arg10[%dma_start3A_557] : memref<480xi32, #tpu.memory_space<vmem>> -> memref<96xi32, #tpu.memory_space<vmem>>
      %dma_start3A_559 = arith.constant 0 : i32
      %dma_start3A_560 = arith.constant 0 : i32
      %dma_start3A_561 = tpu.memref_slice %arg25[%dma_start3A_559, %dma_start3A_560] : memref<2016x48xf32, #tpu.memory_space<vmem_shared>> -> memref<2016x48xf32, #tpu.memory_space<vmem_shared>>
      tpu.enqueue_indirect_dma source(%dma_start3A_561 : memref<2016x48xf32, #tpu.memory_space<vmem_shared>>) target(%dma_start3A_556 : memref<96x48xf32, #tpu.memory_space<vmem>>) offsets(%dma_start3A_558 : memref<96xi32, #tpu.memory_space<vmem>>) semaphore(%arg5 : memref<!tpu.dma_semaphore, #tpu.memory_space<semaphore_mem>>)
      %dma_start3A_562 = arith.constant 288 : i32
      %dma_start3A_563 = arith.constant 0 : i32
      %dma_start3A_564 = tpu.memref_slice %arg20[%dma_start3A_562, %dma_start3A_563] : memref<480x48xf32, #tpu.memory_space<vmem>> -> memref<96x48xf32, #tpu.memory_space<vmem>>
      %dma_start3A_565 = arith.constant 288 : i32
      %dma_start3A_566 = tpu.memref_slice %arg10[%dma_start3A_565] : memref<480xi32, #tpu.memory_space<vmem>> -> memref<96xi32, #tpu.memory_space<vmem>>
      %dma_start3A_567 = arith.constant 0 : i32
      %dma_start3A_568 = arith.constant 0 : i32
      %dma_start3A_569 = tpu.memref_slice %arg25[%dma_start3A_567, %dma_start3A_568] : memref<2016x48xf32, #tpu.memory_space<vmem_shared>> -> memref<2016x48xf32, #tpu.memory_space<vmem_shared>>
      tpu.enqueue_indirect_dma source(%dma_start3A_569 : memref<2016x48xf32, #tpu.memory_space<vmem_shared>>) target(%dma_start3A_564 : memref<96x48xf32, #tpu.memory_space<vmem>>) offsets(%dma_start3A_566 : memref<96xi32, #tpu.memory_space<vmem>>) semaphore(%arg5 : memref<!tpu.dma_semaphore, #tpu.memory_space<semaphore_mem>>)
      %dma_start3A_570 = arith.constant 384 : i32
      %dma_start3A_571 = arith.constant 0 : i32
      %dma_start3A_572 = tpu.memref_slice %arg20[%dma_start3A_570, %dma_start3A_571] : memref<480x48xf32, #tpu.memory_space<vmem>> -> memref<96x48xf32, #tpu.memory_space<vmem>>
      %dma_start3A_573 = arith.constant 384 : i32
      %dma_start3A_574 = tpu.memref_slice %arg10[%dma_start3A_573] : memref<480xi32, #tpu.memory_space<vmem>> -> memref<96xi32, #tpu.memory_space<vmem>>
      %dma_start3A_575 = arith.constant 0 : i32
      %dma_start3A_576 = arith.constant 0 : i32
      %dma_start3A_577 = tpu.memref_slice %arg25[%dma_start3A_575, %dma_start3A_576] : memref<2016x48xf32, #tpu.memory_space<vmem_shared>> -> memref<2016x48xf32, #tpu.memory_space<vmem_shared>>
      tpu.enqueue_indirect_dma source(%dma_start3A_577 : memref<2016x48xf32, #tpu.memory_space<vmem_shared>>) target(%dma_start3A_572 : memref<96x48xf32, #tpu.memory_space<vmem>>) offsets(%dma_start3A_574 : memref<96xi32, #tpu.memory_space<vmem>>) semaphore(%arg5 : memref<!tpu.dma_semaphore, #tpu.memory_space<semaphore_mem>>)
      %dma_wait3A_578 = arith.constant 0 : i32
      %dma_wait3A_579 = arith.constant 0 : i32
      %dma_wait3A_580 = tpu.memref_slice %arg23[%dma_wait3A_578, %dma_wait3A_579] : memref<480x48xf32, #tpu.memory_space<vmem>> -> memref<96x48xf32, #tpu.memory_space<vmem>>
      %dma_wait3A_581 = arith.constant 0 : i32
      %dma_wait3A_582 = tpu.memref_slice %arg13[%dma_wait3A_581] : memref<480xi32, #tpu.memory_space<vmem>> -> memref<96xi32, #tpu.memory_space<vmem>>
      %dma_wait3A_583 = arith.constant 0 : i32
      %dma_wait3A_584 = arith.constant 0 : i32
      %dma_wait3A_585 = tpu.memref_slice %arg25[%dma_wait3A_583, %dma_wait3A_584] : memref<2016x48xf32, #tpu.memory_space<vmem_shared>> -> memref<2016x48xf32, #tpu.memory_space<vmem_shared>>
      tpu.wait_indirect_dma semaphore(%arg8 : memref<!tpu.dma_semaphore, #tpu.memory_space<semaphore_mem>>) src(%dma_wait3A_585 : memref<2016x48xf32, #tpu.memory_space<vmem_shared>>) dst(%dma_wait3A_580 : memref<96x48xf32, #tpu.memory_space<vmem>>)
      %dma_wait3A_586 = arith.constant 96 : i32
      %dma_wait3A_587 = arith.constant 0 : i32
      %dma_wait3A_588 = tpu.memref_slice %arg23[%dma_wait3A_586, %dma_wait3A_587] : memref<480x48xf32, #tpu.memory_space<vmem>> -> memref<96x48xf32, #tpu.memory_space<vmem>>
      %dma_wait3A_589 = arith.constant 96 : i32
      %dma_wait3A_590 = tpu.memref_slice %arg13[%dma_wait3A_589] : memref<480xi32, #tpu.memory_space<vmem>> -> memref<96xi32, #tpu.memory_space<vmem>>
      %dma_wait3A_591 = arith.constant 0 : i32
      %dma_wait3A_592 = arith.constant 0 : i32
      %dma_wait3A_593 = tpu.memref_slice %arg25[%dma_wait3A_591, %dma_wait3A_592] : memref<2016x48xf32, #tpu.memory_space<vmem_shared>> -> memref<2016x48xf32, #tpu.memory_space<vmem_shared>>
      tpu.wait_indirect_dma semaphore(%arg8 : memref<!tpu.dma_semaphore, #tpu.memory_space<semaphore_mem>>) src(%dma_wait3A_593 : memref<2016x48xf32, #tpu.memory_space<vmem_shared>>) dst(%dma_wait3A_588 : memref<96x48xf32, #tpu.memory_space<vmem>>)
      %dma_wait3A_594 = arith.constant 192 : i32
      %dma_wait3A_595 = arith.constant 0 : i32
      %dma_wait3A_596 = tpu.memref_slice %arg23[%dma_wait3A_594, %dma_wait3A_595] : memref<480x48xf32, #tpu.memory_space<vmem>> -> memref<96x48xf32, #tpu.memory_space<vmem>>
      %dma_wait3A_597 = arith.constant 192 : i32
      %dma_wait3A_598 = tpu.memref_slice %arg13[%dma_wait3A_597] : memref<480xi32, #tpu.memory_space<vmem>> -> memref<96xi32, #tpu.memory_space<vmem>>
      %dma_wait3A_599 = arith.constant 0 : i32
      %dma_wait3A_600 = arith.constant 0 : i32
      %dma_wait3A_601 = tpu.memref_slice %arg25[%dma_wait3A_599, %dma_wait3A_600] : memref<2016x48xf32, #tpu.memory_space<vmem_shared>> -> memref<2016x48xf32, #tpu.memory_space<vmem_shared>>
      tpu.wait_indirect_dma semaphore(%arg8 : memref<!tpu.dma_semaphore, #tpu.memory_space<semaphore_mem>>) src(%dma_wait3A_601 : memref<2016x48xf32, #tpu.memory_space<vmem_shared>>) dst(%dma_wait3A_596 : memref<96x48xf32, #tpu.memory_space<vmem>>)
      %dma_wait3A_602 = arith.constant 288 : i32
      %dma_wait3A_603 = arith.constant 0 : i32
      %dma_wait3A_604 = tpu.memref_slice %arg23[%dma_wait3A_602, %dma_wait3A_603] : memref<480x48xf32, #tpu.memory_space<vmem>> -> memref<96x48xf32, #tpu.memory_space<vmem>>
      %dma_wait3A_605 = arith.constant 288 : i32
      %dma_wait3A_606 = tpu.memref_slice %arg13[%dma_wait3A_605] : memref<480xi32, #tpu.memory_space<vmem>> -> memref<96xi32, #tpu.memory_space<vmem>>
      %dma_wait3A_607 = arith.constant 0 : i32
      %dma_wait3A_608 = arith.constant 0 : i32
      %dma_wait3A_609 = tpu.memref_slice %arg25[%dma_wait3A_607, %dma_wait3A_608] : memref<2016x48xf32, #tpu.memory_space<vmem_shared>> -> memref<2016x48xf32, #tpu.memory_space<vmem_shared>>
      tpu.wait_indirect_dma semaphore(%arg8 : memref<!tpu.dma_semaphore, #tpu.memory_space<semaphore_mem>>) src(%dma_wait3A_609 : memref<2016x48xf32, #tpu.memory_space<vmem_shared>>) dst(%dma_wait3A_604 : memref<96x48xf32, #tpu.memory_space<vmem>>)
      %dma_wait3A_610 = arith.constant 384 : i32
      %dma_wait3A_611 = arith.constant 0 : i32
      %dma_wait3A_612 = tpu.memref_slice %arg23[%dma_wait3A_610, %dma_wait3A_611] : memref<480x48xf32, #tpu.memory_space<vmem>> -> memref<96x48xf32, #tpu.memory_space<vmem>>
      %dma_wait3A_613 = arith.constant 384 : i32
      %dma_wait3A_614 = tpu.memref_slice %arg13[%dma_wait3A_613] : memref<480xi32, #tpu.memory_space<vmem>> -> memref<96xi32, #tpu.memory_space<vmem>>
      %dma_wait3A_615 = arith.constant 0 : i32
      %dma_wait3A_616 = arith.constant 0 : i32
      %dma_wait3A_617 = tpu.memref_slice %arg25[%dma_wait3A_615, %dma_wait3A_616] : memref<2016x48xf32, #tpu.memory_space<vmem_shared>> -> memref<2016x48xf32, #tpu.memory_space<vmem_shared>>
      tpu.wait_indirect_dma semaphore(%arg8 : memref<!tpu.dma_semaphore, #tpu.memory_space<semaphore_mem>>) src(%dma_wait3A_617 : memref<2016x48xf32, #tpu.memory_space<vmem_shared>>) dst(%dma_wait3A_612 : memref<96x48xf32, #tpu.memory_space<vmem>>)
      %sub3A_618 = arith.constant 2 : i32
      %sub3A_619 = arith.subi %add3A_524, %sub3A_618 : i32
      %mul3A_620 = arith.constant 480 : i32
      %mul3A_621 = arith.muli %sub3A_619, %mul3A_620 : i32
      %add3A_622 = arith.addi %mul3A_2, %mul3A_621 : i32
      %dma_start3A_623 = arith.constant 0 : i32
      %dma_start3A_624 = tpu.memref_slice %arg4[%add3A_622, %dma_start3A_623] : memref<768000x128xf32, #tpu.memory_space<hbm>> -> memref<480x48xf32, #tpu.memory_space<hbm>>
      %dma_start3A_625 = arith.constant 0 : i32
      %dma_start3A_626 = tpu.memref_slice %arg4[%add3A_622, %dma_start3A_625] : memref<768000x128xf32, #tpu.memory_space<hbm>> -> memref<480x48xf32, #tpu.memory_space<hbm>>
      tpu.enqueue_dma source(%arg23 : memref<480x48xf32, #tpu.memory_space<vmem>>) target(%dma_start3A_626 : memref<480x48xf32, #tpu.memory_space<hbm>>) target_semaphore(%arg18 : memref<!tpu.dma_semaphore, #tpu.memory_space<semaphore_mem>>)
      %add3A_627 = arith.constant 3 : i32
      %add3A_628 = arith.addi %add3A_524, %add3A_627 : i32
      %lt3A = arith.constant 50 : i32
      %lt3A_629 = arith.cmpi slt, %add3A_628, %lt3A : i32
      %convert_element_type3A_630 = arith.extui %lt3A_629 : i1 to i32
      %cond3A_631 = arith.constant 0 : i32
      %cond3A_632 = arith.cmpi ne, %convert_element_type3A_630, %cond3A_631 : i32
      scf.if %cond3A_632 {
        %add3A_1081 = arith.constant 3 : i32
        %add3A_1082 = arith.addi %add3A_524, %add3A_1081 : i32
        %mul3A_1083 = arith.constant 480 : i32
        %mul3A_1084 = arith.muli %add3A_1082, %mul3A_1083 : i32
        %add3A_1085 = arith.addi %mul3A_2, %mul3A_1084 : i32
        %dma_start3A_1086 = tpu.memref_slice %arg2[%add3A_1085] : memref<768000xi32, #tpu.memory_space<hbm>> -> memref<480xi32, #tpu.memory_space<hbm>>
        %dma_start3A_1087 = tpu.memref_slice %arg2[%add3A_1085] : memref<768000xi32, #tpu.memory_space<hbm>> -> memref<480xi32, #tpu.memory_space<hbm>>
        tpu.enqueue_dma source(%dma_start3A_1087 : memref<480xi32, #tpu.memory_space<hbm>>) target(%arg13 : memref<480xi32, #tpu.memory_space<vmem>>) target_semaphore(%arg29 : memref<!tpu.dma_semaphore, #tpu.memory_space<semaphore_mem>>)
      } else {
      }
      %add3A_633 = arith.constant 1 : i32
      %add3A_634 = arith.addi %mul3A_522, %add3A_633 : i32
      %mul3A_635 = arith.constant 480 : i32
      %mul3A_636 = arith.muli %add3A_634, %mul3A_635 : i32
      %add3A_637 = arith.addi %mul3A_2, %mul3A_636 : i32
      %dma_wait3A_638 = tpu.memref_slice %arg2[%add3A_637] : memref<768000xi32, #tpu.memory_space<hbm>> -> memref<480xi32, #tpu.memory_space<hbm>>
      %dma_wait3A_639 = tpu.memref_slice %arg2[%add3A_637] : memref<768000xi32, #tpu.memory_space<hbm>> -> memref<480xi32, #tpu.memory_space<hbm>>
      tpu.wait_dma2 semaphore(%arg27 : memref<!tpu.dma_semaphore, #tpu.memory_space<semaphore_mem>>) src(%dma_wait3A_639 : memref<480xi32, #tpu.memory_space<hbm>>) dst(%arg11 : memref<480xi32, #tpu.memory_space<vmem>>)
      %sub3A_640 = arith.constant 5 : i32
      %sub3A_641 = arith.subi %add3A_634, %sub3A_640 : i32
      %mul3A_642 = arith.constant 480 : i32
      %mul3A_643 = arith.muli %sub3A_641, %mul3A_642 : i32
      %add3A_644 = arith.addi %mul3A_2, %mul3A_643 : i32
      %dma_wait3A_645 = arith.constant 0 : i32
      %dma_wait3A_646 = tpu.memref_slice %arg4[%add3A_644, %dma_wait3A_645] : memref<768000x128xf32, #tpu.memory_space<hbm>> -> memref<480x48xf32, #tpu.memory_space<hbm>>
      %dma_wait3A_647 = arith.constant 0 : i32
      %dma_wait3A_648 = tpu.memref_slice %arg4[%add3A_644, %dma_wait3A_647] : memref<768000x128xf32, #tpu.memory_space<hbm>> -> memref<480x48xf32, #tpu.memory_space<hbm>>
      tpu.wait_dma2 semaphore(%arg16 : memref<!tpu.dma_semaphore, #tpu.memory_space<semaphore_mem>>) src(%arg21 : memref<480x48xf32, #tpu.memory_space<vmem>>) dst(%dma_wait3A_648 : memref<480x48xf32, #tpu.memory_space<hbm>>)
      %dma_start3A_649 = arith.constant 0 : i32
      %dma_start3A_650 = arith.constant 0 : i32
      %dma_start3A_651 = tpu.memref_slice %arg21[%dma_start3A_649, %dma_start3A_650] : memref<480x48xf32, #tpu.memory_space<vmem>> -> memref<96x48xf32, #tpu.memory_space<vmem>>
      %dma_start3A_652 = arith.constant 0 : i32
      %dma_start3A_653 = tpu.memref_slice %arg11[%dma_start3A_652] : memref<480xi32, #tpu.memory_space<vmem>> -> memref<96xi32, #tpu.memory_space<vmem>>
      %dma_start3A_654 = arith.constant 0 : i32
      %dma_start3A_655 = arith.constant 0 : i32
      %dma_start3A_656 = tpu.memref_slice %arg25[%dma_start3A_654, %dma_start3A_655] : memref<2016x48xf32, #tpu.memory_space<vmem_shared>> -> memref<2016x48xf32, #tpu.memory_space<vmem_shared>>
      tpu.enqueue_indirect_dma source(%dma_start3A_656 : memref<2016x48xf32, #tpu.memory_space<vmem_shared>>) target(%dma_start3A_651 : memref<96x48xf32, #tpu.memory_space<vmem>>) offsets(%dma_start3A_653 : memref<96xi32, #tpu.memory_space<vmem>>) semaphore(%arg6 : memref<!tpu.dma_semaphore, #tpu.memory_space<semaphore_mem>>)
      %dma_start3A_657 = arith.constant 96 : i32
      %dma_start3A_658 = arith.constant 0 : i32
      %dma_start3A_659 = tpu.memref_slice %arg21[%dma_start3A_657, %dma_start3A_658] : memref<480x48xf32, #tpu.memory_space<vmem>> -> memref<96x48xf32, #tpu.memory_space<vmem>>
      %dma_start3A_660 = arith.constant 96 : i32
      %dma_start3A_661 = tpu.memref_slice %arg11[%dma_start3A_660] : memref<480xi32, #tpu.memory_space<vmem>> -> memref<96xi32, #tpu.memory_space<vmem>>
      %dma_start3A_662 = arith.constant 0 : i32
      %dma_start3A_663 = arith.constant 0 : i32
      %dma_start3A_664 = tpu.memref_slice %arg25[%dma_start3A_662, %dma_start3A_663] : memref<2016x48xf32, #tpu.memory_space<vmem_shared>> -> memref<2016x48xf32, #tpu.memory_space<vmem_shared>>
      tpu.enqueue_indirect_dma source(%dma_start3A_664 : memref<2016x48xf32, #tpu.memory_space<vmem_shared>>) target(%dma_start3A_659 : memref<96x48xf32, #tpu.memory_space<vmem>>) offsets(%dma_start3A_661 : memref<96xi32, #tpu.memory_space<vmem>>) semaphore(%arg6 : memref<!tpu.dma_semaphore, #tpu.memory_space<semaphore_mem>>)
      %dma_start3A_665 = arith.constant 192 : i32
      %dma_start3A_666 = arith.constant 0 : i32
      %dma_start3A_667 = tpu.memref_slice %arg21[%dma_start3A_665, %dma_start3A_666] : memref<480x48xf32, #tpu.memory_space<vmem>> -> memref<96x48xf32, #tpu.memory_space<vmem>>
      %dma_start3A_668 = arith.constant 192 : i32
      %dma_start3A_669 = tpu.memref_slice %arg11[%dma_start3A_668] : memref<480xi32, #tpu.memory_space<vmem>> -> memref<96xi32, #tpu.memory_space<vmem>>
      %dma_start3A_670 = arith.constant 0 : i32
      %dma_start3A_671 = arith.constant 0 : i32
      %dma_start3A_672 = tpu.memref_slice %arg25[%dma_start3A_670, %dma_start3A_671] : memref<2016x48xf32, #tpu.memory_space<vmem_shared>> -> memref<2016x48xf32, #tpu.memory_space<vmem_shared>>
      tpu.enqueue_indirect_dma source(%dma_start3A_672 : memref<2016x48xf32, #tpu.memory_space<vmem_shared>>) target(%dma_start3A_667 : memref<96x48xf32, #tpu.memory_space<vmem>>) offsets(%dma_start3A_669 : memref<96xi32, #tpu.memory_space<vmem>>) semaphore(%arg6 : memref<!tpu.dma_semaphore, #tpu.memory_space<semaphore_mem>>)
      %dma_start3A_673 = arith.constant 288 : i32
      %dma_start3A_674 = arith.constant 0 : i32
      %dma_start3A_675 = tpu.memref_slice %arg21[%dma_start3A_673, %dma_start3A_674] : memref<480x48xf32, #tpu.memory_space<vmem>> -> memref<96x48xf32, #tpu.memory_space<vmem>>
      %dma_start3A_676 = arith.constant 288 : i32
      %dma_start3A_677 = tpu.memref_slice %arg11[%dma_start3A_676] : memref<480xi32, #tpu.memory_space<vmem>> -> memref<96xi32, #tpu.memory_space<vmem>>
      %dma_start3A_678 = arith.constant 0 : i32
      %dma_start3A_679 = arith.constant 0 : i32
      %dma_start3A_680 = tpu.memref_slice %arg25[%dma_start3A_678, %dma_start3A_679] : memref<2016x48xf32, #tpu.memory_space<vmem_shared>> -> memref<2016x48xf32, #tpu.memory_space<vmem_shared>>
      tpu.enqueue_indirect_dma source(%dma_start3A_680 : memref<2016x48xf32, #tpu.memory_space<vmem_shared>>) target(%dma_start3A_675 : memref<96x48xf32, #tpu.memory_space<vmem>>) offsets(%dma_start3A_677 : memref<96xi32, #tpu.memory_space<vmem>>) semaphore(%arg6 : memref<!tpu.dma_semaphore, #tpu.memory_space<semaphore_mem>>)
      %dma_start3A_681 = arith.constant 384 : i32
      %dma_start3A_682 = arith.constant 0 : i32
      %dma_start3A_683 = tpu.memref_slice %arg21[%dma_start3A_681, %dma_start3A_682] : memref<480x48xf32, #tpu.memory_space<vmem>> -> memref<96x48xf32, #tpu.memory_space<vmem>>
      %dma_start3A_684 = arith.constant 384 : i32
      %dma_start3A_685 = tpu.memref_slice %arg11[%dma_start3A_684] : memref<480xi32, #tpu.memory_space<vmem>> -> memref<96xi32, #tpu.memory_space<vmem>>
      %dma_start3A_686 = arith.constant 0 : i32
      %dma_start3A_687 = arith.constant 0 : i32
      %dma_start3A_688 = tpu.memref_slice %arg25[%dma_start3A_686, %dma_start3A_687] : memref<2016x48xf32, #tpu.memory_space<vmem_shared>> -> memref<2016x48xf32, #tpu.memory_space<vmem_shared>>
      tpu.enqueue_indirect_dma source(%dma_start3A_688 : memref<2016x48xf32, #tpu.memory_space<vmem_shared>>) target(%dma_start3A_683 : memref<96x48xf32, #tpu.memory_space<vmem>>) offsets(%dma_start3A_685 : memref<96xi32, #tpu.memory_space<vmem>>) semaphore(%arg6 : memref<!tpu.dma_semaphore, #tpu.memory_space<semaphore_mem>>)
      %dma_wait3A_689 = arith.constant 0 : i32
      %dma_wait3A_690 = arith.constant 0 : i32
      %dma_wait3A_691 = tpu.memref_slice %arg24[%dma_wait3A_689, %dma_wait3A_690] : memref<480x48xf32, #tpu.memory_space<vmem>> -> memref<96x48xf32, #tpu.memory_space<vmem>>
      %dma_wait3A_692 = arith.constant 0 : i32
      %dma_wait3A_693 = tpu.memref_slice %arg14[%dma_wait3A_692] : memref<480xi32, #tpu.memory_space<vmem>> -> memref<96xi32, #tpu.memory_space<vmem>>
      %dma_wait3A_694 = arith.constant 0 : i32
      %dma_wait3A_695 = arith.constant 0 : i32
      %dma_wait3A_696 = tpu.memref_slice %arg25[%dma_wait3A_694, %dma_wait3A_695] : memref<2016x48xf32, #tpu.memory_space<vmem_shared>> -> memref<2016x48xf32, #tpu.memory_space<vmem_shared>>
      tpu.wait_indirect_dma semaphore(%arg9 : memref<!tpu.dma_semaphore, #tpu.memory_space<semaphore_mem>>) src(%dma_wait3A_696 : memref<2016x48xf32, #tpu.memory_space<vmem_shared>>) dst(%dma_wait3A_691 : memref<96x48xf32, #tpu.memory_space<vmem>>)
      %dma_wait3A_697 = arith.constant 96 : i32
      %dma_wait3A_698 = arith.constant 0 : i32
      %dma_wait3A_699 = tpu.memref_slice %arg24[%dma_wait3A_697, %dma_wait3A_698] : memref<480x48xf32, #tpu.memory_space<vmem>> -> memref<96x48xf32, #tpu.memory_space<vmem>>
      %dma_wait3A_700 = arith.constant 96 : i32
      %dma_wait3A_701 = tpu.memref_slice %arg14[%dma_wait3A_700] : memref<480xi32, #tpu.memory_space<vmem>> -> memref<96xi32, #tpu.memory_space<vmem>>
      %dma_wait3A_702 = arith.constant 0 : i32
      %dma_wait3A_703 = arith.constant 0 : i32
      %dma_wait3A_704 = tpu.memref_slice %arg25[%dma_wait3A_702, %dma_wait3A_703] : memref<2016x48xf32, #tpu.memory_space<vmem_shared>> -> memref<2016x48xf32, #tpu.memory_space<vmem_shared>>
      tpu.wait_indirect_dma semaphore(%arg9 : memref<!tpu.dma_semaphore, #tpu.memory_space<semaphore_mem>>) src(%dma_wait3A_704 : memref<2016x48xf32, #tpu.memory_space<vmem_shared>>) dst(%dma_wait3A_699 : memref<96x48xf32, #tpu.memory_space<vmem>>)
      %dma_wait3A_705 = arith.constant 192 : i32
      %dma_wait3A_706 = arith.constant 0 : i32
      %dma_wait3A_707 = tpu.memref_slice %arg24[%dma_wait3A_705, %dma_wait3A_706] : memref<480x48xf32, #tpu.memory_space<vmem>> -> memref<96x48xf32, #tpu.memory_space<vmem>>
      %dma_wait3A_708 = arith.constant 192 : i32
      %dma_wait3A_709 = tpu.memref_slice %arg14[%dma_wait3A_708] : memref<480xi32, #tpu.memory_space<vmem>> -> memref<96xi32, #tpu.memory_space<vmem>>
      %dma_wait3A_710 = arith.constant 0 : i32
      %dma_wait3A_711 = arith.constant 0 : i32
      %dma_wait3A_712 = tpu.memref_slice %arg25[%dma_wait3A_710, %dma_wait3A_711] : memref<2016x48xf32, #tpu.memory_space<vmem_shared>> -> memref<2016x48xf32, #tpu.memory_space<vmem_shared>>
      tpu.wait_indirect_dma semaphore(%arg9 : memref<!tpu.dma_semaphore, #tpu.memory_space<semaphore_mem>>) src(%dma_wait3A_712 : memref<2016x48xf32, #tpu.memory_space<vmem_shared>>) dst(%dma_wait3A_707 : memref<96x48xf32, #tpu.memory_space<vmem>>)
      %dma_wait3A_713 = arith.constant 288 : i32
      %dma_wait3A_714 = arith.constant 0 : i32
      %dma_wait3A_715 = tpu.memref_slice %arg24[%dma_wait3A_713, %dma_wait3A_714] : memref<480x48xf32, #tpu.memory_space<vmem>> -> memref<96x48xf32, #tpu.memory_space<vmem>>
      %dma_wait3A_716 = arith.constant 288 : i32
      %dma_wait3A_717 = tpu.memref_slice %arg14[%dma_wait3A_716] : memref<480xi32, #tpu.memory_space<vmem>> -> memref<96xi32, #tpu.memory_space<vmem>>
      %dma_wait3A_718 = arith.constant 0 : i32
      %dma_wait3A_719 = arith.constant 0 : i32
      %dma_wait3A_720 = tpu.memref_slice %arg25[%dma_wait3A_718, %dma_wait3A_719] : memref<2016x48xf32, #tpu.memory_space<vmem_shared>> -> memref<2016x48xf32, #tpu.memory_space<vmem_shared>>
      tpu.wait_indirect_dma semaphore(%arg9 : memref<!tpu.dma_semaphore, #tpu.memory_space<semaphore_mem>>) src(%dma_wait3A_720 : memref<2016x48xf32, #tpu.memory_space<vmem_shared>>) dst(%dma_wait3A_715 : memref<96x48xf32, #tpu.memory_space<vmem>>)
      %dma_wait3A_721 = arith.constant 384 : i32
      %dma_wait3A_722 = arith.constant 0 : i32
      %dma_wait3A_723 = tpu.memref_slice %arg24[%dma_wait3A_721, %dma_wait3A_722] : memref<480x48xf32, #tpu.memory_space<vmem>> -> memref<96x48xf32, #tpu.memory_space<vmem>>
      %dma_wait3A_724 = arith.constant 384 : i32
      %dma_wait3A_725 = tpu.memref_slice %arg14[%dma_wait3A_724] : memref<480xi32, #tpu.memory_space<vmem>> -> memref<96xi32, #tpu.memory_space<vmem>>
      %dma_wait3A_726 = arith.constant 0 : i32
      %dma_wait3A_727 = arith.constant 0 : i32
      %dma_wait3A_728 = tpu.memref_slice %arg25[%dma_wait3A_726, %dma_wait3A_727] : memref<2016x48xf32, #tpu.memory_space<vmem_shared>> -> memref<2016x48xf32, #tpu.memory_space<vmem_shared>>
      tpu.wait_indirect_dma semaphore(%arg9 : memref<!tpu.dma_semaphore, #tpu.memory_space<semaphore_mem>>) src(%dma_wait3A_728 : memref<2016x48xf32, #tpu.memory_space<vmem_shared>>) dst(%dma_wait3A_723 : memref<96x48xf32, #tpu.memory_space<vmem>>)
      %sub3A_729 = arith.constant 2 : i32
      %sub3A_730 = arith.subi %add3A_634, %sub3A_729 : i32
      %mul3A_731 = arith.constant 480 : i32
      %mul3A_732 = arith.muli %sub3A_730, %mul3A_731 : i32
      %add3A_733 = arith.addi %mul3A_2, %mul3A_732 : i32
      %dma_start3A_734 = arith.constant 0 : i32
      %dma_start3A_735 = tpu.memref_slice %arg4[%add3A_733, %dma_start3A_734] : memref<768000x128xf32, #tpu.memory_space<hbm>> -> memref<480x48xf32, #tpu.memory_space<hbm>>
      %dma_start3A_736 = arith.constant 0 : i32
      %dma_start3A_737 = tpu.memref_slice %arg4[%add3A_733, %dma_start3A_736] : memref<768000x128xf32, #tpu.memory_space<hbm>> -> memref<480x48xf32, #tpu.memory_space<hbm>>
      tpu.enqueue_dma source(%arg24 : memref<480x48xf32, #tpu.memory_space<vmem>>) target(%dma_start3A_737 : memref<480x48xf32, #tpu.memory_space<hbm>>) target_semaphore(%arg19 : memref<!tpu.dma_semaphore, #tpu.memory_space<semaphore_mem>>)
      %add3A_738 = arith.constant 3 : i32
      %add3A_739 = arith.addi %add3A_634, %add3A_738 : i32
      %lt3A_740 = arith.constant 50 : i32
      %lt3A_741 = arith.cmpi slt, %add3A_739, %lt3A_740 : i32
      %convert_element_type3A_742 = arith.extui %lt3A_741 : i1 to i32
      %cond3A_743 = arith.constant 0 : i32
      %cond3A_744 = arith.cmpi ne, %convert_element_type3A_742, %cond3A_743 : i32
      scf.if %cond3A_744 {
        %add3A_1081 = arith.constant 3 : i32
        %add3A_1082 = arith.addi %add3A_634, %add3A_1081 : i32
        %mul3A_1083 = arith.constant 480 : i32
        %mul3A_1084 = arith.muli %add3A_1082, %mul3A_1083 : i32
        %add3A_1085 = arith.addi %mul3A_2, %mul3A_1084 : i32
        %dma_start3A_1086 = tpu.memref_slice %arg2[%add3A_1085] : memref<768000xi32, #tpu.memory_space<hbm>> -> memref<480xi32, #tpu.memory_space<hbm>>
        %dma_start3A_1087 = tpu.memref_slice %arg2[%add3A_1085] : memref<768000xi32, #tpu.memory_space<hbm>> -> memref<480xi32, #tpu.memory_space<hbm>>
        tpu.enqueue_dma source(%dma_start3A_1087 : memref<480xi32, #tpu.memory_space<hbm>>) target(%arg14 : memref<480xi32, #tpu.memory_space<vmem>>) target_semaphore(%arg30 : memref<!tpu.dma_semaphore, #tpu.memory_space<semaphore_mem>>)
      } else {
      }
      %add3A_745 = arith.constant 2 : i32
      %add3A_746 = arith.addi %mul3A_522, %add3A_745 : i32
      %mul3A_747 = arith.constant 480 : i32
      %mul3A_748 = arith.muli %add3A_746, %mul3A_747 : i32
      %add3A_749 = arith.addi %mul3A_2, %mul3A_748 : i32
      %dma_wait3A_750 = tpu.memref_slice %arg2[%add3A_749] : memref<768000xi32, #tpu.memory_space<hbm>> -> memref<480xi32, #tpu.memory_space<hbm>>
      %dma_wait3A_751 = tpu.memref_slice %arg2[%add3A_749] : memref<768000xi32, #tpu.memory_space<hbm>> -> memref<480xi32, #tpu.memory_space<hbm>>
      tpu.wait_dma2 semaphore(%arg28 : memref<!tpu.dma_semaphore, #tpu.memory_space<semaphore_mem>>) src(%dma_wait3A_751 : memref<480xi32, #tpu.memory_space<hbm>>) dst(%arg12 : memref<480xi32, #tpu.memory_space<vmem>>)
      %sub3A_752 = arith.constant 5 : i32
      %sub3A_753 = arith.subi %add3A_746, %sub3A_752 : i32
      %mul3A_754 = arith.constant 480 : i32
      %mul3A_755 = arith.muli %sub3A_753, %mul3A_754 : i32
      %add3A_756 = arith.addi %mul3A_2, %mul3A_755 : i32
      %dma_wait3A_757 = arith.constant 0 : i32
      %dma_wait3A_758 = tpu.memref_slice %arg4[%add3A_756, %dma_wait3A_757] : memref<768000x128xf32, #tpu.memory_space<hbm>> -> memref<480x48xf32, #tpu.memory_space<hbm>>
      %dma_wait3A_759 = arith.constant 0 : i32
      %dma_wait3A_760 = tpu.memref_slice %arg4[%add3A_756, %dma_wait3A_759] : memref<768000x128xf32, #tpu.memory_space<hbm>> -> memref<480x48xf32, #tpu.memory_space<hbm>>
      tpu.wait_dma2 semaphore(%arg17 : memref<!tpu.dma_semaphore, #tpu.memory_space<semaphore_mem>>) src(%arg22 : memref<480x48xf32, #tpu.memory_space<vmem>>) dst(%dma_wait3A_760 : memref<480x48xf32, #tpu.memory_space<hbm>>)
      %dma_start3A_761 = arith.constant 0 : i32
      %dma_start3A_762 = arith.constant 0 : i32
      %dma_start3A_763 = tpu.memref_slice %arg22[%dma_start3A_761, %dma_start3A_762] : memref<480x48xf32, #tpu.memory_space<vmem>> -> memref<96x48xf32, #tpu.memory_space<vmem>>
      %dma_start3A_764 = arith.constant 0 : i32
      %dma_start3A_765 = tpu.memref_slice %arg12[%dma_start3A_764] : memref<480xi32, #tpu.memory_space<vmem>> -> memref<96xi32, #tpu.memory_space<vmem>>
      %dma_start3A_766 = arith.constant 0 : i32
      %dma_start3A_767 = arith.constant 0 : i32
      %dma_start3A_768 = tpu.memref_slice %arg25[%dma_start3A_766, %dma_start3A_767] : memref<2016x48xf32, #tpu.memory_space<vmem_shared>> -> memref<2016x48xf32, #tpu.memory_space<vmem_shared>>
      tpu.enqueue_indirect_dma source(%dma_start3A_768 : memref<2016x48xf32, #tpu.memory_space<vmem_shared>>) target(%dma_start3A_763 : memref<96x48xf32, #tpu.memory_space<vmem>>) offsets(%dma_start3A_765 : memref<96xi32, #tpu.memory_space<vmem>>) semaphore(%arg7 : memref<!tpu.dma_semaphore, #tpu.memory_space<semaphore_mem>>)
      %dma_start3A_769 = arith.constant 96 : i32
      %dma_start3A_770 = arith.constant 0 : i32
      %dma_start3A_771 = tpu.memref_slice %arg22[%dma_start3A_769, %dma_start3A_770] : memref<480x48xf32, #tpu.memory_space<vmem>> -> memref<96x48xf32, #tpu.memory_space<vmem>>
      %dma_start3A_772 = arith.constant 96 : i32
      %dma_start3A_773 = tpu.memref_slice %arg12[%dma_start3A_772] : memref<480xi32, #tpu.memory_space<vmem>> -> memref<96xi32, #tpu.memory_space<vmem>>
      %dma_start3A_774 = arith.constant 0 : i32
      %dma_start3A_775 = arith.constant 0 : i32
      %dma_start3A_776 = tpu.memref_slice %arg25[%dma_start3A_774, %dma_start3A_775] : memref<2016x48xf32, #tpu.memory_space<vmem_shared>> -> memref<2016x48xf32, #tpu.memory_space<vmem_shared>>
      tpu.enqueue_indirect_dma source(%dma_start3A_776 : memref<2016x48xf32, #tpu.memory_space<vmem_shared>>) target(%dma_start3A_771 : memref<96x48xf32, #tpu.memory_space<vmem>>) offsets(%dma_start3A_773 : memref<96xi32, #tpu.memory_space<vmem>>) semaphore(%arg7 : memref<!tpu.dma_semaphore, #tpu.memory_space<semaphore_mem>>)
      %dma_start3A_777 = arith.constant 192 : i32
      %dma_start3A_778 = arith.constant 0 : i32
      %dma_start3A_779 = tpu.memref_slice %arg22[%dma_start3A_777, %dma_start3A_778] : memref<480x48xf32, #tpu.memory_space<vmem>> -> memref<96x48xf32, #tpu.memory_space<vmem>>
      %dma_start3A_780 = arith.constant 192 : i32
      %dma_start3A_781 = tpu.memref_slice %arg12[%dma_start3A_780] : memref<480xi32, #tpu.memory_space<vmem>> -> memref<96xi32, #tpu.memory_space<vmem>>
      %dma_start3A_782 = arith.constant 0 : i32
      %dma_start3A_783 = arith.constant 0 : i32
      %dma_start3A_784 = tpu.memref_slice %arg25[%dma_start3A_782, %dma_start3A_783] : memref<2016x48xf32, #tpu.memory_space<vmem_shared>> -> memref<2016x48xf32, #tpu.memory_space<vmem_shared>>
      tpu.enqueue_indirect_dma source(%dma_start3A_784 : memref<2016x48xf32, #tpu.memory_space<vmem_shared>>) target(%dma_start3A_779 : memref<96x48xf32, #tpu.memory_space<vmem>>) offsets(%dma_start3A_781 : memref<96xi32, #tpu.memory_space<vmem>>) semaphore(%arg7 : memref<!tpu.dma_semaphore, #tpu.memory_space<semaphore_mem>>)
      %dma_start3A_785 = arith.constant 288 : i32
      %dma_start3A_786 = arith.constant 0 : i32
      %dma_start3A_787 = tpu.memref_slice %arg22[%dma_start3A_785, %dma_start3A_786] : memref<480x48xf32, #tpu.memory_space<vmem>> -> memref<96x48xf32, #tpu.memory_space<vmem>>
      %dma_start3A_788 = arith.constant 288 : i32
      %dma_start3A_789 = tpu.memref_slice %arg12[%dma_start3A_788] : memref<480xi32, #tpu.memory_space<vmem>> -> memref<96xi32, #tpu.memory_space<vmem>>
      %dma_start3A_790 = arith.constant 0 : i32
      %dma_start3A_791 = arith.constant 0 : i32
      %dma_start3A_792 = tpu.memref_slice %arg25[%dma_start3A_790, %dma_start3A_791] : memref<2016x48xf32, #tpu.memory_space<vmem_shared>> -> memref<2016x48xf32, #tpu.memory_space<vmem_shared>>
      tpu.enqueue_indirect_dma source(%dma_start3A_792 : memref<2016x48xf32, #tpu.memory_space<vmem_shared>>) target(%dma_start3A_787 : memref<96x48xf32, #tpu.memory_space<vmem>>) offsets(%dma_start3A_789 : memref<96xi32, #tpu.memory_space<vmem>>) semaphore(%arg7 : memref<!tpu.dma_semaphore, #tpu.memory_space<semaphore_mem>>)
      %dma_start3A_793 = arith.constant 384 : i32
      %dma_start3A_794 = arith.constant 0 : i32
      %dma_start3A_795 = tpu.memref_slice %arg22[%dma_start3A_793, %dma_start3A_794] : memref<480x48xf32, #tpu.memory_space<vmem>> -> memref<96x48xf32, #tpu.memory_space<vmem>>
      %dma_start3A_796 = arith.constant 384 : i32
      %dma_start3A_797 = tpu.memref_slice %arg12[%dma_start3A_796] : memref<480xi32, #tpu.memory_space<vmem>> -> memref<96xi32, #tpu.memory_space<vmem>>
      %dma_start3A_798 = arith.constant 0 : i32
      %dma_start3A_799 = arith.constant 0 : i32
      %dma_start3A_800 = tpu.memref_slice %arg25[%dma_start3A_798, %dma_start3A_799] : memref<2016x48xf32, #tpu.memory_space<vmem_shared>> -> memref<2016x48xf32, #tpu.memory_space<vmem_shared>>
      tpu.enqueue_indirect_dma source(%dma_start3A_800 : memref<2016x48xf32, #tpu.memory_space<vmem_shared>>) target(%dma_start3A_795 : memref<96x48xf32, #tpu.memory_space<vmem>>) offsets(%dma_start3A_797 : memref<96xi32, #tpu.memory_space<vmem>>) semaphore(%arg7 : memref<!tpu.dma_semaphore, #tpu.memory_space<semaphore_mem>>)
      %dma_wait3A_801 = arith.constant 0 : i32
      %dma_wait3A_802 = arith.constant 0 : i32
      %dma_wait3A_803 = tpu.memref_slice %arg20[%dma_wait3A_801, %dma_wait3A_802] : memref<480x48xf32, #tpu.memory_space<vmem>> -> memref<96x48xf32, #tpu.memory_space<vmem>>
      %dma_wait3A_804 = arith.constant 0 : i32
      %dma_wait3A_805 = tpu.memref_slice %arg10[%dma_wait3A_804] : memref<480xi32, #tpu.memory_space<vmem>> -> memref<96xi32, #tpu.memory_space<vmem>>
      %dma_wait3A_806 = arith.constant 0 : i32
      %dma_wait3A_807 = arith.constant 0 : i32
      %dma_wait3A_808 = tpu.memref_slice %arg25[%dma_wait3A_806, %dma_wait3A_807] : memref<2016x48xf32, #tpu.memory_space<vmem_shared>> -> memref<2016x48xf32, #tpu.memory_space<vmem_shared>>
      tpu.wait_indirect_dma semaphore(%arg5 : memref<!tpu.dma_semaphore, #tpu.memory_space<semaphore_mem>>) src(%dma_wait3A_808 : memref<2016x48xf32, #tpu.memory_space<vmem_shared>>) dst(%dma_wait3A_803 : memref<96x48xf32, #tpu.memory_space<vmem>>)
      %dma_wait3A_809 = arith.constant 96 : i32
      %dma_wait3A_810 = arith.constant 0 : i32
      %dma_wait3A_811 = tpu.memref_slice %arg20[%dma_wait3A_809, %dma_wait3A_810] : memref<480x48xf32, #tpu.memory_space<vmem>> -> memref<96x48xf32, #tpu.memory_space<vmem>>
      %dma_wait3A_812 = arith.constant 96 : i32
      %dma_wait3A_813 = tpu.memref_slice %arg10[%dma_wait3A_812] : memref<480xi32, #tpu.memory_space<vmem>> -> memref<96xi32, #tpu.memory_space<vmem>>
      %dma_wait3A_814 = arith.constant 0 : i32
      %dma_wait3A_815 = arith.constant 0 : i32
      %dma_wait3A_816 = tpu.memref_slice %arg25[%dma_wait3A_814, %dma_wait3A_815] : memref<2016x48xf32, #tpu.memory_space<vmem_shared>> -> memref<2016x48xf32, #tpu.memory_space<vmem_shared>>
      tpu.wait_indirect_dma semaphore(%arg5 : memref<!tpu.dma_semaphore, #tpu.memory_space<semaphore_mem>>) src(%dma_wait3A_816 : memref<2016x48xf32, #tpu.memory_space<vmem_shared>>) dst(%dma_wait3A_811 : memref<96x48xf32, #tpu.memory_space<vmem>>)
      %dma_wait3A_817 = arith.constant 192 : i32
      %dma_wait3A_818 = arith.constant 0 : i32
      %dma_wait3A_819 = tpu.memref_slice %arg20[%dma_wait3A_817, %dma_wait3A_818] : memref<480x48xf32, #tpu.memory_space<vmem>> -> memref<96x48xf32, #tpu.memory_space<vmem>>
      %dma_wait3A_820 = arith.constant 192 : i32
      %dma_wait3A_821 = tpu.memref_slice %arg10[%dma_wait3A_820] : memref<480xi32, #tpu.memory_space<vmem>> -> memref<96xi32, #tpu.memory_space<vmem>>
      %dma_wait3A_822 = arith.constant 0 : i32
      %dma_wait3A_823 = arith.constant 0 : i32
      %dma_wait3A_824 = tpu.memref_slice %arg25[%dma_wait3A_822, %dma_wait3A_823] : memref<2016x48xf32, #tpu.memory_space<vmem_shared>> -> memref<2016x48xf32, #tpu.memory_space<vmem_shared>>
      tpu.wait_indirect_dma semaphore(%arg5 : memref<!tpu.dma_semaphore, #tpu.memory_space<semaphore_mem>>) src(%dma_wait3A_824 : memref<2016x48xf32, #tpu.memory_space<vmem_shared>>) dst(%dma_wait3A_819 : memref<96x48xf32, #tpu.memory_space<vmem>>)
      %dma_wait3A_825 = arith.constant 288 : i32
      %dma_wait3A_826 = arith.constant 0 : i32
      %dma_wait3A_827 = tpu.memref_slice %arg20[%dma_wait3A_825, %dma_wait3A_826] : memref<480x48xf32, #tpu.memory_space<vmem>> -> memref<96x48xf32, #tpu.memory_space<vmem>>
      %dma_wait3A_828 = arith.constant 288 : i32
      %dma_wait3A_829 = tpu.memref_slice %arg10[%dma_wait3A_828] : memref<480xi32, #tpu.memory_space<vmem>> -> memref<96xi32, #tpu.memory_space<vmem>>
      %dma_wait3A_830 = arith.constant 0 : i32
      %dma_wait3A_831 = arith.constant 0 : i32
      %dma_wait3A_832 = tpu.memref_slice %arg25[%dma_wait3A_830, %dma_wait3A_831] : memref<2016x48xf32, #tpu.memory_space<vmem_shared>> -> memref<2016x48xf32, #tpu.memory_space<vmem_shared>>
      tpu.wait_indirect_dma semaphore(%arg5 : memref<!tpu.dma_semaphore, #tpu.memory_space<semaphore_mem>>) src(%dma_wait3A_832 : memref<2016x48xf32, #tpu.memory_space<vmem_shared>>) dst(%dma_wait3A_827 : memref<96x48xf32, #tpu.memory_space<vmem>>)
      %dma_wait3A_833 = arith.constant 384 : i32
      %dma_wait3A_834 = arith.constant 0 : i32
      %dma_wait3A_835 = tpu.memref_slice %arg20[%dma_wait3A_833, %dma_wait3A_834] : memref<480x48xf32, #tpu.memory_space<vmem>> -> memref<96x48xf32, #tpu.memory_space<vmem>>
      %dma_wait3A_836 = arith.constant 384 : i32
      %dma_wait3A_837 = tpu.memref_slice %arg10[%dma_wait3A_836] : memref<480xi32, #tpu.memory_space<vmem>> -> memref<96xi32, #tpu.memory_space<vmem>>
      %dma_wait3A_838 = arith.constant 0 : i32
      %dma_wait3A_839 = arith.constant 0 : i32
      %dma_wait3A_840 = tpu.memref_slice %arg25[%dma_wait3A_838, %dma_wait3A_839] : memref<2016x48xf32, #tpu.memory_space<vmem_shared>> -> memref<2016x48xf32, #tpu.memory_space<vmem_shared>>
      tpu.wait_indirect_dma semaphore(%arg5 : memref<!tpu.dma_semaphore, #tpu.memory_space<semaphore_mem>>) src(%dma_wait3A_840 : memref<2016x48xf32, #tpu.memory_space<vmem_shared>>) dst(%dma_wait3A_835 : memref<96x48xf32, #tpu.memory_space<vmem>>)
      %sub3A_841 = arith.constant 2 : i32
      %sub3A_842 = arith.subi %add3A_746, %sub3A_841 : i32
      %mul3A_843 = arith.constant 480 : i32
      %mul3A_844 = arith.muli %sub3A_842, %mul3A_843 : i32
      %add3A_845 = arith.addi %mul3A_2, %mul3A_844 : i32
      %dma_start3A_846 = arith.constant 0 : i32
      %dma_start3A_847 = tpu.memref_slice %arg4[%add3A_845, %dma_start3A_846] : memref<768000x128xf32, #tpu.memory_space<hbm>> -> memref<480x48xf32, #tpu.memory_space<hbm>>
      %dma_start3A_848 = arith.constant 0 : i32
      %dma_start3A_849 = tpu.memref_slice %arg4[%add3A_845, %dma_start3A_848] : memref<768000x128xf32, #tpu.memory_space<hbm>> -> memref<480x48xf32, #tpu.memory_space<hbm>>
      tpu.enqueue_dma source(%arg20 : memref<480x48xf32, #tpu.memory_space<vmem>>) target(%dma_start3A_849 : memref<480x48xf32, #tpu.memory_space<hbm>>) target_semaphore(%arg15 : memref<!tpu.dma_semaphore, #tpu.memory_space<semaphore_mem>>)
      %add3A_850 = arith.constant 3 : i32
      %add3A_851 = arith.addi %add3A_746, %add3A_850 : i32
      %lt3A_852 = arith.constant 50 : i32
      %lt3A_853 = arith.cmpi slt, %add3A_851, %lt3A_852 : i32
      %convert_element_type3A_854 = arith.extui %lt3A_853 : i1 to i32
      %cond3A_855 = arith.constant 0 : i32
      %cond3A_856 = arith.cmpi ne, %convert_element_type3A_854, %cond3A_855 : i32
      scf.if %cond3A_856 {
        %add3A_1081 = arith.constant 3 : i32
        %add3A_1082 = arith.addi %add3A_746, %add3A_1081 : i32
        %mul3A_1083 = arith.constant 480 : i32
        %mul3A_1084 = arith.muli %add3A_1082, %mul3A_1083 : i32
        %add3A_1085 = arith.addi %mul3A_2, %mul3A_1084 : i32
        %dma_start3A_1086 = tpu.memref_slice %arg2[%add3A_1085] : memref<768000xi32, #tpu.memory_space<hbm>> -> memref<480xi32, #tpu.memory_space<hbm>>
        %dma_start3A_1087 = tpu.memref_slice %arg2[%add3A_1085] : memref<768000xi32, #tpu.memory_space<hbm>> -> memref<480xi32, #tpu.memory_space<hbm>>
        tpu.enqueue_dma source(%dma_start3A_1087 : memref<480xi32, #tpu.memory_space<hbm>>) target(%arg10 : memref<480xi32, #tpu.memory_space<vmem>>) target_semaphore(%arg26 : memref<!tpu.dma_semaphore, #tpu.memory_space<semaphore_mem>>)
      } else {
      }
      %add3A_857 = arith.constant 3 : i32
      %add3A_858 = arith.addi %mul3A_522, %add3A_857 : i32
      %mul3A_859 = arith.constant 480 : i32
      %mul3A_860 = arith.muli %add3A_858, %mul3A_859 : i32
      %add3A_861 = arith.addi %mul3A_2, %mul3A_860 : i32
      %dma_wait3A_862 = tpu.memref_slice %arg2[%add3A_861] : memref<768000xi32, #tpu.memory_space<hbm>> -> memref<480xi32, #tpu.memory_space<hbm>>
      %dma_wait3A_863 = tpu.memref_slice %arg2[%add3A_861] : memref<768000xi32, #tpu.memory_space<hbm>> -> memref<480xi32, #tpu.memory_space<hbm>>
      tpu.wait_dma2 semaphore(%arg29 : memref<!tpu.dma_semaphore, #tpu.memory_space<semaphore_mem>>) src(%dma_wait3A_863 : memref<480xi32, #tpu.memory_space<hbm>>) dst(%arg13 : memref<480xi32, #tpu.memory_space<vmem>>)
      %sub3A_864 = arith.constant 5 : i32
      %sub3A_865 = arith.subi %add3A_858, %sub3A_864 : i32
      %mul3A_866 = arith.constant 480 : i32
      %mul3A_867 = arith.muli %sub3A_865, %mul3A_866 : i32
      %add3A_868 = arith.addi %mul3A_2, %mul3A_867 : i32
      %dma_wait3A_869 = arith.constant 0 : i32
      %dma_wait3A_870 = tpu.memref_slice %arg4[%add3A_868, %dma_wait3A_869] : memref<768000x128xf32, #tpu.memory_space<hbm>> -> memref<480x48xf32, #tpu.memory_space<hbm>>
      %dma_wait3A_871 = arith.constant 0 : i32
      %dma_wait3A_872 = tpu.memref_slice %arg4[%add3A_868, %dma_wait3A_871] : memref<768000x128xf32, #tpu.memory_space<hbm>> -> memref<480x48xf32, #tpu.memory_space<hbm>>
      tpu.wait_dma2 semaphore(%arg18 : memref<!tpu.dma_semaphore, #tpu.memory_space<semaphore_mem>>) src(%arg23 : memref<480x48xf32, #tpu.memory_space<vmem>>) dst(%dma_wait3A_872 : memref<480x48xf32, #tpu.memory_space<hbm>>)
      %dma_start3A_873 = arith.constant 0 : i32
      %dma_start3A_874 = arith.constant 0 : i32
      %dma_start3A_875 = tpu.memref_slice %arg23[%dma_start3A_873, %dma_start3A_874] : memref<480x48xf32, #tpu.memory_space<vmem>> -> memref<96x48xf32, #tpu.memory_space<vmem>>
      %dma_start3A_876 = arith.constant 0 : i32
      %dma_start3A_877 = tpu.memref_slice %arg13[%dma_start3A_876] : memref<480xi32, #tpu.memory_space<vmem>> -> memref<96xi32, #tpu.memory_space<vmem>>
      %dma_start3A_878 = arith.constant 0 : i32
      %dma_start3A_879 = arith.constant 0 : i32
      %dma_start3A_880 = tpu.memref_slice %arg25[%dma_start3A_878, %dma_start3A_879] : memref<2016x48xf32, #tpu.memory_space<vmem_shared>> -> memref<2016x48xf32, #tpu.memory_space<vmem_shared>>
      tpu.enqueue_indirect_dma source(%dma_start3A_880 : memref<2016x48xf32, #tpu.memory_space<vmem_shared>>) target(%dma_start3A_875 : memref<96x48xf32, #tpu.memory_space<vmem>>) offsets(%dma_start3A_877 : memref<96xi32, #tpu.memory_space<vmem>>) semaphore(%arg8 : memref<!tpu.dma_semaphore, #tpu.memory_space<semaphore_mem>>)
      %dma_start3A_881 = arith.constant 96 : i32
      %dma_start3A_882 = arith.constant 0 : i32
      %dma_start3A_883 = tpu.memref_slice %arg23[%dma_start3A_881, %dma_start3A_882] : memref<480x48xf32, #tpu.memory_space<vmem>> -> memref<96x48xf32, #tpu.memory_space<vmem>>
      %dma_start3A_884 = arith.constant 96 : i32
      %dma_start3A_885 = tpu.memref_slice %arg13[%dma_start3A_884] : memref<480xi32, #tpu.memory_space<vmem>> -> memref<96xi32, #tpu.memory_space<vmem>>
      %dma_start3A_886 = arith.constant 0 : i32
      %dma_start3A_887 = arith.constant 0 : i32
      %dma_start3A_888 = tpu.memref_slice %arg25[%dma_start3A_886, %dma_start3A_887] : memref<2016x48xf32, #tpu.memory_space<vmem_shared>> -> memref<2016x48xf32, #tpu.memory_space<vmem_shared>>
      tpu.enqueue_indirect_dma source(%dma_start3A_888 : memref<2016x48xf32, #tpu.memory_space<vmem_shared>>) target(%dma_start3A_883 : memref<96x48xf32, #tpu.memory_space<vmem>>) offsets(%dma_start3A_885 : memref<96xi32, #tpu.memory_space<vmem>>) semaphore(%arg8 : memref<!tpu.dma_semaphore, #tpu.memory_space<semaphore_mem>>)
      %dma_start3A_889 = arith.constant 192 : i32
      %dma_start3A_890 = arith.constant 0 : i32
      %dma_start3A_891 = tpu.memref_slice %arg23[%dma_start3A_889, %dma_start3A_890] : memref<480x48xf32, #tpu.memory_space<vmem>> -> memref<96x48xf32, #tpu.memory_space<vmem>>
      %dma_start3A_892 = arith.constant 192 : i32
      %dma_start3A_893 = tpu.memref_slice %arg13[%dma_start3A_892] : memref<480xi32, #tpu.memory_space<vmem>> -> memref<96xi32, #tpu.memory_space<vmem>>
      %dma_start3A_894 = arith.constant 0 : i32
      %dma_start3A_895 = arith.constant 0 : i32
      %dma_start3A_896 = tpu.memref_slice %arg25[%dma_start3A_894, %dma_start3A_895] : memref<2016x48xf32, #tpu.memory_space<vmem_shared>> -> memref<2016x48xf32, #tpu.memory_space<vmem_shared>>
      tpu.enqueue_indirect_dma source(%dma_start3A_896 : memref<2016x48xf32, #tpu.memory_space<vmem_shared>>) target(%dma_start3A_891 : memref<96x48xf32, #tpu.memory_space<vmem>>) offsets(%dma_start3A_893 : memref<96xi32, #tpu.memory_space<vmem>>) semaphore(%arg8 : memref<!tpu.dma_semaphore, #tpu.memory_space<semaphore_mem>>)
      %dma_start3A_897 = arith.constant 288 : i32
      %dma_start3A_898 = arith.constant 0 : i32
      %dma_start3A_899 = tpu.memref_slice %arg23[%dma_start3A_897, %dma_start3A_898] : memref<480x48xf32, #tpu.memory_space<vmem>> -> memref<96x48xf32, #tpu.memory_space<vmem>>
      %dma_start3A_900 = arith.constant 288 : i32
      %dma_start3A_901 = tpu.memref_slice %arg13[%dma_start3A_900] : memref<480xi32, #tpu.memory_space<vmem>> -> memref<96xi32, #tpu.memory_space<vmem>>
      %dma_start3A_902 = arith.constant 0 : i32
      %dma_start3A_903 = arith.constant 0 : i32
      %dma_start3A_904 = tpu.memref_slice %arg25[%dma_start3A_902, %dma_start3A_903] : memref<2016x48xf32, #tpu.memory_space<vmem_shared>> -> memref<2016x48xf32, #tpu.memory_space<vmem_shared>>
      tpu.enqueue_indirect_dma source(%dma_start3A_904 : memref<2016x48xf32, #tpu.memory_space<vmem_shared>>) target(%dma_start3A_899 : memref<96x48xf32, #tpu.memory_space<vmem>>) offsets(%dma_start3A_901 : memref<96xi32, #tpu.memory_space<vmem>>) semaphore(%arg8 : memref<!tpu.dma_semaphore, #tpu.memory_space<semaphore_mem>>)
      %dma_start3A_905 = arith.constant 384 : i32
      %dma_start3A_906 = arith.constant 0 : i32
      %dma_start3A_907 = tpu.memref_slice %arg23[%dma_start3A_905, %dma_start3A_906] : memref<480x48xf32, #tpu.memory_space<vmem>> -> memref<96x48xf32, #tpu.memory_space<vmem>>
      %dma_start3A_908 = arith.constant 384 : i32
      %dma_start3A_909 = tpu.memref_slice %arg13[%dma_start3A_908] : memref<480xi32, #tpu.memory_space<vmem>> -> memref<96xi32, #tpu.memory_space<vmem>>
      %dma_start3A_910 = arith.constant 0 : i32
      %dma_start3A_911 = arith.constant 0 : i32
      %dma_start3A_912 = tpu.memref_slice %arg25[%dma_start3A_910, %dma_start3A_911] : memref<2016x48xf32, #tpu.memory_space<vmem_shared>> -> memref<2016x48xf32, #tpu.memory_space<vmem_shared>>
      tpu.enqueue_indirect_dma source(%dma_start3A_912 : memref<2016x48xf32, #tpu.memory_space<vmem_shared>>) target(%dma_start3A_907 : memref<96x48xf32, #tpu.memory_space<vmem>>) offsets(%dma_start3A_909 : memref<96xi32, #tpu.memory_space<vmem>>) semaphore(%arg8 : memref<!tpu.dma_semaphore, #tpu.memory_space<semaphore_mem>>)
      %dma_wait3A_913 = arith.constant 0 : i32
      %dma_wait3A_914 = arith.constant 0 : i32
      %dma_wait3A_915 = tpu.memref_slice %arg21[%dma_wait3A_913, %dma_wait3A_914] : memref<480x48xf32, #tpu.memory_space<vmem>> -> memref<96x48xf32, #tpu.memory_space<vmem>>
      %dma_wait3A_916 = arith.constant 0 : i32
      %dma_wait3A_917 = tpu.memref_slice %arg11[%dma_wait3A_916] : memref<480xi32, #tpu.memory_space<vmem>> -> memref<96xi32, #tpu.memory_space<vmem>>
      %dma_wait3A_918 = arith.constant 0 : i32
      %dma_wait3A_919 = arith.constant 0 : i32
      %dma_wait3A_920 = tpu.memref_slice %arg25[%dma_wait3A_918, %dma_wait3A_919] : memref<2016x48xf32, #tpu.memory_space<vmem_shared>> -> memref<2016x48xf32, #tpu.memory_space<vmem_shared>>
      tpu.wait_indirect_dma semaphore(%arg6 : memref<!tpu.dma_semaphore, #tpu.memory_space<semaphore_mem>>) src(%dma_wait3A_920 : memref<2016x48xf32, #tpu.memory_space<vmem_shared>>) dst(%dma_wait3A_915 : memref<96x48xf32, #tpu.memory_space<vmem>>)
      %dma_wait3A_921 = arith.constant 96 : i32
      %dma_wait3A_922 = arith.constant 0 : i32
      %dma_wait3A_923 = tpu.memref_slice %arg21[%dma_wait3A_921, %dma_wait3A_922] : memref<480x48xf32, #tpu.memory_space<vmem>> -> memref<96x48xf32, #tpu.memory_space<vmem>>
      %dma_wait3A_924 = arith.constant 96 : i32
      %dma_wait3A_925 = tpu.memref_slice %arg11[%dma_wait3A_924] : memref<480xi32, #tpu.memory_space<vmem>> -> memref<96xi32, #tpu.memory_space<vmem>>
      %dma_wait3A_926 = arith.constant 0 : i32
      %dma_wait3A_927 = arith.constant 0 : i32
      %dma_wait3A_928 = tpu.memref_slice %arg25[%dma_wait3A_926, %dma_wait3A_927] : memref<2016x48xf32, #tpu.memory_space<vmem_shared>> -> memref<2016x48xf32, #tpu.memory_space<vmem_shared>>
      tpu.wait_indirect_dma semaphore(%arg6 : memref<!tpu.dma_semaphore, #tpu.memory_space<semaphore_mem>>) src(%dma_wait3A_928 : memref<2016x48xf32, #tpu.memory_space<vmem_shared>>) dst(%dma_wait3A_923 : memref<96x48xf32, #tpu.memory_space<vmem>>)
      %dma_wait3A_929 = arith.constant 192 : i32
      %dma_wait3A_930 = arith.constant 0 : i32
      %dma_wait3A_931 = tpu.memref_slice %arg21[%dma_wait3A_929, %dma_wait3A_930] : memref<480x48xf32, #tpu.memory_space<vmem>> -> memref<96x48xf32, #tpu.memory_space<vmem>>
      %dma_wait3A_932 = arith.constant 192 : i32
      %dma_wait3A_933 = tpu.memref_slice %arg11[%dma_wait3A_932] : memref<480xi32, #tpu.memory_space<vmem>> -> memref<96xi32, #tpu.memory_space<vmem>>
      %dma_wait3A_934 = arith.constant 0 : i32
      %dma_wait3A_935 = arith.constant 0 : i32
      %dma_wait3A_936 = tpu.memref_slice %arg25[%dma_wait3A_934, %dma_wait3A_935] : memref<2016x48xf32, #tpu.memory_space<vmem_shared>> -> memref<2016x48xf32, #tpu.memory_space<vmem_shared>>
      tpu.wait_indirect_dma semaphore(%arg6 : memref<!tpu.dma_semaphore, #tpu.memory_space<semaphore_mem>>) src(%dma_wait3A_936 : memref<2016x48xf32, #tpu.memory_space<vmem_shared>>) dst(%dma_wait3A_931 : memref<96x48xf32, #tpu.memory_space<vmem>>)
      %dma_wait3A_937 = arith.constant 288 : i32
      %dma_wait3A_938 = arith.constant 0 : i32
      %dma_wait3A_939 = tpu.memref_slice %arg21[%dma_wait3A_937, %dma_wait3A_938] : memref<480x48xf32, #tpu.memory_space<vmem>> -> memref<96x48xf32, #tpu.memory_space<vmem>>
      %dma_wait3A_940 = arith.constant 288 : i32
      %dma_wait3A_941 = tpu.memref_slice %arg11[%dma_wait3A_940] : memref<480xi32, #tpu.memory_space<vmem>> -> memref<96xi32, #tpu.memory_space<vmem>>
      %dma_wait3A_942 = arith.constant 0 : i32
      %dma_wait3A_943 = arith.constant 0 : i32
      %dma_wait3A_944 = tpu.memref_slice %arg25[%dma_wait3A_942, %dma_wait3A_943] : memref<2016x48xf32, #tpu.memory_space<vmem_shared>> -> memref<2016x48xf32, #tpu.memory_space<vmem_shared>>
      tpu.wait_indirect_dma semaphore(%arg6 : memref<!tpu.dma_semaphore, #tpu.memory_space<semaphore_mem>>) src(%dma_wait3A_944 : memref<2016x48xf32, #tpu.memory_space<vmem_shared>>) dst(%dma_wait3A_939 : memref<96x48xf32, #tpu.memory_space<vmem>>)
      %dma_wait3A_945 = arith.constant 384 : i32
      %dma_wait3A_946 = arith.constant 0 : i32
      %dma_wait3A_947 = tpu.memref_slice %arg21[%dma_wait3A_945, %dma_wait3A_946] : memref<480x48xf32, #tpu.memory_space<vmem>> -> memref<96x48xf32, #tpu.memory_space<vmem>>
      %dma_wait3A_948 = arith.constant 384 : i32
      %dma_wait3A_949 = tpu.memref_slice %arg11[%dma_wait3A_948] : memref<480xi32, #tpu.memory_space<vmem>> -> memref<96xi32, #tpu.memory_space<vmem>>
      %dma_wait3A_950 = arith.constant 0 : i32
      %dma_wait3A_951 = arith.constant 0 : i32
      %dma_wait3A_952 = tpu.memref_slice %arg25[%dma_wait3A_950, %dma_wait3A_951] : memref<2016x48xf32, #tpu.memory_space<vmem_shared>> -> memref<2016x48xf32, #tpu.memory_space<vmem_shared>>
      tpu.wait_indirect_dma semaphore(%arg6 : memref<!tpu.dma_semaphore, #tpu.memory_space<semaphore_mem>>) src(%dma_wait3A_952 : memref<2016x48xf32, #tpu.memory_space<vmem_shared>>) dst(%dma_wait3A_947 : memref<96x48xf32, #tpu.memory_space<vmem>>)
      %sub3A_953 = arith.constant 2 : i32
      %sub3A_954 = arith.subi %add3A_858, %sub3A_953 : i32
      %mul3A_955 = arith.constant 480 : i32
      %mul3A_956 = arith.muli %sub3A_954, %mul3A_955 : i32
      %add3A_957 = arith.addi %mul3A_2, %mul3A_956 : i32
      %dma_start3A_958 = arith.constant 0 : i32
      %dma_start3A_959 = tpu.memref_slice %arg4[%add3A_957, %dma_start3A_958] : memref<768000x128xf32, #tpu.memory_space<hbm>> -> memref<480x48xf32, #tpu.memory_space<hbm>>
      %dma_start3A_960 = arith.constant 0 : i32
      %dma_start3A_961 = tpu.memref_slice %arg4[%add3A_957, %dma_start3A_960] : memref<768000x128xf32, #tpu.memory_space<hbm>> -> memref<480x48xf32, #tpu.memory_space<hbm>>
      tpu.enqueue_dma source(%arg21 : memref<480x48xf32, #tpu.memory_space<vmem>>) target(%dma_start3A_961 : memref<480x48xf32, #tpu.memory_space<hbm>>) target_semaphore(%arg16 : memref<!tpu.dma_semaphore, #tpu.memory_space<semaphore_mem>>)
      %add3A_962 = arith.constant 3 : i32
      %add3A_963 = arith.addi %add3A_858, %add3A_962 : i32
      %lt3A_964 = arith.constant 50 : i32
      %lt3A_965 = arith.cmpi slt, %add3A_963, %lt3A_964 : i32
      %convert_element_type3A_966 = arith.extui %lt3A_965 : i1 to i32
      %cond3A_967 = arith.constant 0 : i32
      %cond3A_968 = arith.cmpi ne, %convert_element_type3A_966, %cond3A_967 : i32
      scf.if %cond3A_968 {
        %add3A_1081 = arith.constant 3 : i32
        %add3A_1082 = arith.addi %add3A_858, %add3A_1081 : i32
        %mul3A_1083 = arith.constant 480 : i32
        %mul3A_1084 = arith.muli %add3A_1082, %mul3A_1083 : i32
        %add3A_1085 = arith.addi %mul3A_2, %mul3A_1084 : i32
        %dma_start3A_1086 = tpu.memref_slice %arg2[%add3A_1085] : memref<768000xi32, #tpu.memory_space<hbm>> -> memref<480xi32, #tpu.memory_space<hbm>>
        %dma_start3A_1087 = tpu.memref_slice %arg2[%add3A_1085] : memref<768000xi32, #tpu.memory_space<hbm>> -> memref<480xi32, #tpu.memory_space<hbm>>
        tpu.enqueue_dma source(%dma_start3A_1087 : memref<480xi32, #tpu.memory_space<hbm>>) target(%arg11 : memref<480xi32, #tpu.memory_space<vmem>>) target_semaphore(%arg27 : memref<!tpu.dma_semaphore, #tpu.memory_space<semaphore_mem>>)
      } else {
      }
      %add3A_969 = arith.constant 4 : i32
      %add3A_970 = arith.addi %mul3A_522, %add3A_969 : i32
      %mul3A_971 = arith.constant 480 : i32
      %mul3A_972 = arith.muli %add3A_970, %mul3A_971 : i32
      %add3A_973 = arith.addi %mul3A_2, %mul3A_972 : i32
      %dma_wait3A_974 = tpu.memref_slice %arg2[%add3A_973] : memref<768000xi32, #tpu.memory_space<hbm>> -> memref<480xi32, #tpu.memory_space<hbm>>
      %dma_wait3A_975 = tpu.memref_slice %arg2[%add3A_973] : memref<768000xi32, #tpu.memory_space<hbm>> -> memref<480xi32, #tpu.memory_space<hbm>>
      tpu.wait_dma2 semaphore(%arg30 : memref<!tpu.dma_semaphore, #tpu.memory_space<semaphore_mem>>) src(%dma_wait3A_975 : memref<480xi32, #tpu.memory_space<hbm>>) dst(%arg14 : memref<480xi32, #tpu.memory_space<vmem>>)
      %sub3A_976 = arith.constant 5 : i32
      %sub3A_977 = arith.subi %add3A_970, %sub3A_976 : i32
      %mul3A_978 = arith.constant 480 : i32
      %mul3A_979 = arith.muli %sub3A_977, %mul3A_978 : i32
      %add3A_980 = arith.addi %mul3A_2, %mul3A_979 : i32
      %dma_wait3A_981 = arith.constant 0 : i32
      %dma_wait3A_982 = tpu.memref_slice %arg4[%add3A_980, %dma_wait3A_981] : memref<768000x128xf32, #tpu.memory_space<hbm>> -> memref<480x48xf32, #tpu.memory_space<hbm>>
      %dma_wait3A_983 = arith.constant 0 : i32
      %dma_wait3A_984 = tpu.memref_slice %arg4[%add3A_980, %dma_wait3A_983] : memref<768000x128xf32, #tpu.memory_space<hbm>> -> memref<480x48xf32, #tpu.memory_space<hbm>>
      tpu.wait_dma2 semaphore(%arg19 : memref<!tpu.dma_semaphore, #tpu.memory_space<semaphore_mem>>) src(%arg24 : memref<480x48xf32, #tpu.memory_space<vmem>>) dst(%dma_wait3A_984 : memref<480x48xf32, #tpu.memory_space<hbm>>)
      %dma_start3A_985 = arith.constant 0 : i32
      %dma_start3A_986 = arith.constant 0 : i32
      %dma_start3A_987 = tpu.memref_slice %arg24[%dma_start3A_985, %dma_start3A_986] : memref<480x48xf32, #tpu.memory_space<vmem>> -> memref<96x48xf32, #tpu.memory_space<vmem>>
      %dma_start3A_988 = arith.constant 0 : i32
      %dma_start3A_989 = tpu.memref_slice %arg14[%dma_start3A_988] : memref<480xi32, #tpu.memory_space<vmem>> -> memref<96xi32, #tpu.memory_space<vmem>>
      %dma_start3A_990 = arith.constant 0 : i32
      %dma_start3A_991 = arith.constant 0 : i32
      %dma_start3A_992 = tpu.memref_slice %arg25[%dma_start3A_990, %dma_start3A_991] : memref<2016x48xf32, #tpu.memory_space<vmem_shared>> -> memref<2016x48xf32, #tpu.memory_space<vmem_shared>>
      tpu.enqueue_indirect_dma source(%dma_start3A_992 : memref<2016x48xf32, #tpu.memory_space<vmem_shared>>) target(%dma_start3A_987 : memref<96x48xf32, #tpu.memory_space<vmem>>) offsets(%dma_start3A_989 : memref<96xi32, #tpu.memory_space<vmem>>) semaphore(%arg9 : memref<!tpu.dma_semaphore, #tpu.memory_space<semaphore_mem>>)
      %dma_start3A_993 = arith.constant 96 : i32
      %dma_start3A_994 = arith.constant 0 : i32
      %dma_start3A_995 = tpu.memref_slice %arg24[%dma_start3A_993, %dma_start3A_994] : memref<480x48xf32, #tpu.memory_space<vmem>> -> memref<96x48xf32, #tpu.memory_space<vmem>>
      %dma_start3A_996 = arith.constant 96 : i32
      %dma_start3A_997 = tpu.memref_slice %arg14[%dma_start3A_996] : memref<480xi32, #tpu.memory_space<vmem>> -> memref<96xi32, #tpu.memory_space<vmem>>
      %dma_start3A_998 = arith.constant 0 : i32
      %dma_start3A_999 = arith.constant 0 : i32
      %dma_start3A_1000 = tpu.memref_slice %arg25[%dma_start3A_998, %dma_start3A_999] : memref<2016x48xf32, #tpu.memory_space<vmem_shared>> -> memref<2016x48xf32, #tpu.memory_space<vmem_shared>>
      tpu.enqueue_indirect_dma source(%dma_start3A_1000 : memref<2016x48xf32, #tpu.memory_space<vmem_shared>>) target(%dma_start3A_995 : memref<96x48xf32, #tpu.memory_space<vmem>>) offsets(%dma_start3A_997 : memref<96xi32, #tpu.memory_space<vmem>>) semaphore(%arg9 : memref<!tpu.dma_semaphore, #tpu.memory_space<semaphore_mem>>)
      %dma_start3A_1001 = arith.constant 192 : i32
      %dma_start3A_1002 = arith.constant 0 : i32
      %dma_start3A_1003 = tpu.memref_slice %arg24[%dma_start3A_1001, %dma_start3A_1002] : memref<480x48xf32, #tpu.memory_space<vmem>> -> memref<96x48xf32, #tpu.memory_space<vmem>>
      %dma_start3A_1004 = arith.constant 192 : i32
      %dma_start3A_1005 = tpu.memref_slice %arg14[%dma_start3A_1004] : memref<480xi32, #tpu.memory_space<vmem>> -> memref<96xi32, #tpu.memory_space<vmem>>
      %dma_start3A_1006 = arith.constant 0 : i32
      %dma_start3A_1007 = arith.constant 0 : i32
      %dma_start3A_1008 = tpu.memref_slice %arg25[%dma_start3A_1006, %dma_start3A_1007] : memref<2016x48xf32, #tpu.memory_space<vmem_shared>> -> memref<2016x48xf32, #tpu.memory_space<vmem_shared>>
      tpu.enqueue_indirect_dma source(%dma_start3A_1008 : memref<2016x48xf32, #tpu.memory_space<vmem_shared>>) target(%dma_start3A_1003 : memref<96x48xf32, #tpu.memory_space<vmem>>) offsets(%dma_start3A_1005 : memref<96xi32, #tpu.memory_space<vmem>>) semaphore(%arg9 : memref<!tpu.dma_semaphore, #tpu.memory_space<semaphore_mem>>)
      %dma_start3A_1009 = arith.constant 288 : i32
      %dma_start3A_1010 = arith.constant 0 : i32
      %dma_start3A_1011 = tpu.memref_slice %arg24[%dma_start3A_1009, %dma_start3A_1010] : memref<480x48xf32, #tpu.memory_space<vmem>> -> memref<96x48xf32, #tpu.memory_space<vmem>>
      %dma_start3A_1012 = arith.constant 288 : i32
      %dma_start3A_1013 = tpu.memref_slice %arg14[%dma_start3A_1012] : memref<480xi32, #tpu.memory_space<vmem>> -> memref<96xi32, #tpu.memory_space<vmem>>
      %dma_start3A_1014 = arith.constant 0 : i32
      %dma_start3A_1015 = arith.constant 0 : i32
      %dma_start3A_1016 = tpu.memref_slice %arg25[%dma_start3A_1014, %dma_start3A_1015] : memref<2016x48xf32, #tpu.memory_space<vmem_shared>> -> memref<2016x48xf32, #tpu.memory_space<vmem_shared>>
      tpu.enqueue_indirect_dma source(%dma_start3A_1016 : memref<2016x48xf32, #tpu.memory_space<vmem_shared>>) target(%dma_start3A_1011 : memref<96x48xf32, #tpu.memory_space<vmem>>) offsets(%dma_start3A_1013 : memref<96xi32, #tpu.memory_space<vmem>>) semaphore(%arg9 : memref<!tpu.dma_semaphore, #tpu.memory_space<semaphore_mem>>)
      %dma_start3A_1017 = arith.constant 384 : i32
      %dma_start3A_1018 = arith.constant 0 : i32
      %dma_start3A_1019 = tpu.memref_slice %arg24[%dma_start3A_1017, %dma_start3A_1018] : memref<480x48xf32, #tpu.memory_space<vmem>> -> memref<96x48xf32, #tpu.memory_space<vmem>>
      %dma_start3A_1020 = arith.constant 384 : i32
      %dma_start3A_1021 = tpu.memref_slice %arg14[%dma_start3A_1020] : memref<480xi32, #tpu.memory_space<vmem>> -> memref<96xi32, #tpu.memory_space<vmem>>
      %dma_start3A_1022 = arith.constant 0 : i32
      %dma_start3A_1023 = arith.constant 0 : i32
      %dma_start3A_1024 = tpu.memref_slice %arg25[%dma_start3A_1022, %dma_start3A_1023] : memref<2016x48xf32, #tpu.memory_space<vmem_shared>> -> memref<2016x48xf32, #tpu.memory_space<vmem_shared>>
      tpu.enqueue_indirect_dma source(%dma_start3A_1024 : memref<2016x48xf32, #tpu.memory_space<vmem_shared>>) target(%dma_start3A_1019 : memref<96x48xf32, #tpu.memory_space<vmem>>) offsets(%dma_start3A_1021 : memref<96xi32, #tpu.memory_space<vmem>>) semaphore(%arg9 : memref<!tpu.dma_semaphore, #tpu.memory_space<semaphore_mem>>)
      %dma_wait3A_1025 = arith.constant 0 : i32
      %dma_wait3A_1026 = arith.constant 0 : i32
      %dma_wait3A_1027 = tpu.memref_slice %arg22[%dma_wait3A_1025, %dma_wait3A_1026] : memref<480x48xf32, #tpu.memory_space<vmem>> -> memref<96x48xf32, #tpu.memory_space<vmem>>
      %dma_wait3A_1028 = arith.constant 0 : i32
      %dma_wait3A_1029 = tpu.memref_slice %arg12[%dma_wait3A_1028] : memref<480xi32, #tpu.memory_space<vmem>> -> memref<96xi32, #tpu.memory_space<vmem>>
      %dma_wait3A_1030 = arith.constant 0 : i32
      %dma_wait3A_1031 = arith.constant 0 : i32
      %dma_wait3A_1032 = tpu.memref_slice %arg25[%dma_wait3A_1030, %dma_wait3A_1031] : memref<2016x48xf32, #tpu.memory_space<vmem_shared>> -> memref<2016x48xf32, #tpu.memory_space<vmem_shared>>
      tpu.wait_indirect_dma semaphore(%arg7 : memref<!tpu.dma_semaphore, #tpu.memory_space<semaphore_mem>>) src(%dma_wait3A_1032 : memref<2016x48xf32, #tpu.memory_space<vmem_shared>>) dst(%dma_wait3A_1027 : memref<96x48xf32, #tpu.memory_space<vmem>>)
      %dma_wait3A_1033 = arith.constant 96 : i32
      %dma_wait3A_1034 = arith.constant 0 : i32
      %dma_wait3A_1035 = tpu.memref_slice %arg22[%dma_wait3A_1033, %dma_wait3A_1034] : memref<480x48xf32, #tpu.memory_space<vmem>> -> memref<96x48xf32, #tpu.memory_space<vmem>>
      %dma_wait3A_1036 = arith.constant 96 : i32
      %dma_wait3A_1037 = tpu.memref_slice %arg12[%dma_wait3A_1036] : memref<480xi32, #tpu.memory_space<vmem>> -> memref<96xi32, #tpu.memory_space<vmem>>
      %dma_wait3A_1038 = arith.constant 0 : i32
      %dma_wait3A_1039 = arith.constant 0 : i32
      %dma_wait3A_1040 = tpu.memref_slice %arg25[%dma_wait3A_1038, %dma_wait3A_1039] : memref<2016x48xf32, #tpu.memory_space<vmem_shared>> -> memref<2016x48xf32, #tpu.memory_space<vmem_shared>>
      tpu.wait_indirect_dma semaphore(%arg7 : memref<!tpu.dma_semaphore, #tpu.memory_space<semaphore_mem>>) src(%dma_wait3A_1040 : memref<2016x48xf32, #tpu.memory_space<vmem_shared>>) dst(%dma_wait3A_1035 : memref<96x48xf32, #tpu.memory_space<vmem>>)
      %dma_wait3A_1041 = arith.constant 192 : i32
      %dma_wait3A_1042 = arith.constant 0 : i32
      %dma_wait3A_1043 = tpu.memref_slice %arg22[%dma_wait3A_1041, %dma_wait3A_1042] : memref<480x48xf32, #tpu.memory_space<vmem>> -> memref<96x48xf32, #tpu.memory_space<vmem>>
      %dma_wait3A_1044 = arith.constant 192 : i32
      %dma_wait3A_1045 = tpu.memref_slice %arg12[%dma_wait3A_1044] : memref<480xi32, #tpu.memory_space<vmem>> -> memref<96xi32, #tpu.memory_space<vmem>>
      %dma_wait3A_1046 = arith.constant 0 : i32
      %dma_wait3A_1047 = arith.constant 0 : i32
      %dma_wait3A_1048 = tpu.memref_slice %arg25[%dma_wait3A_1046, %dma_wait3A_1047] : memref<2016x48xf32, #tpu.memory_space<vmem_shared>> -> memref<2016x48xf32, #tpu.memory_space<vmem_shared>>
      tpu.wait_indirect_dma semaphore(%arg7 : memref<!tpu.dma_semaphore, #tpu.memory_space<semaphore_mem>>) src(%dma_wait3A_1048 : memref<2016x48xf32, #tpu.memory_space<vmem_shared>>) dst(%dma_wait3A_1043 : memref<96x48xf32, #tpu.memory_space<vmem>>)
      %dma_wait3A_1049 = arith.constant 288 : i32
      %dma_wait3A_1050 = arith.constant 0 : i32
      %dma_wait3A_1051 = tpu.memref_slice %arg22[%dma_wait3A_1049, %dma_wait3A_1050] : memref<480x48xf32, #tpu.memory_space<vmem>> -> memref<96x48xf32, #tpu.memory_space<vmem>>
      %dma_wait3A_1052 = arith.constant 288 : i32
      %dma_wait3A_1053 = tpu.memref_slice %arg12[%dma_wait3A_1052] : memref<480xi32, #tpu.memory_space<vmem>> -> memref<96xi32, #tpu.memory_space<vmem>>
      %dma_wait3A_1054 = arith.constant 0 : i32
      %dma_wait3A_1055 = arith.constant 0 : i32
      %dma_wait3A_1056 = tpu.memref_slice %arg25[%dma_wait3A_1054, %dma_wait3A_1055] : memref<2016x48xf32, #tpu.memory_space<vmem_shared>> -> memref<2016x48xf32, #tpu.memory_space<vmem_shared>>
      tpu.wait_indirect_dma semaphore(%arg7 : memref<!tpu.dma_semaphore, #tpu.memory_space<semaphore_mem>>) src(%dma_wait3A_1056 : memref<2016x48xf32, #tpu.memory_space<vmem_shared>>) dst(%dma_wait3A_1051 : memref<96x48xf32, #tpu.memory_space<vmem>>)
      %dma_wait3A_1057 = arith.constant 384 : i32
      %dma_wait3A_1058 = arith.constant 0 : i32
      %dma_wait3A_1059 = tpu.memref_slice %arg22[%dma_wait3A_1057, %dma_wait3A_1058] : memref<480x48xf32, #tpu.memory_space<vmem>> -> memref<96x48xf32, #tpu.memory_space<vmem>>
      %dma_wait3A_1060 = arith.constant 384 : i32
      %dma_wait3A_1061 = tpu.memref_slice %arg12[%dma_wait3A_1060] : memref<480xi32, #tpu.memory_space<vmem>> -> memref<96xi32, #tpu.memory_space<vmem>>
      %dma_wait3A_1062 = arith.constant 0 : i32
      %dma_wait3A_1063 = arith.constant 0 : i32
      %dma_wait3A_1064 = tpu.memref_slice %arg25[%dma_wait3A_1062, %dma_wait3A_1063] : memref<2016x48xf32, #tpu.memory_space<vmem_shared>> -> memref<2016x48xf32, #tpu.memory_space<vmem_shared>>
      tpu.wait_indirect_dma semaphore(%arg7 : memref<!tpu.dma_semaphore, #tpu.memory_space<semaphore_mem>>) src(%dma_wait3A_1064 : memref<2016x48xf32, #tpu.memory_space<vmem_shared>>) dst(%dma_wait3A_1059 : memref<96x48xf32, #tpu.memory_space<vmem>>)
      %sub3A_1065 = arith.constant 2 : i32
      %sub3A_1066 = arith.subi %add3A_970, %sub3A_1065 : i32
      %mul3A_1067 = arith.constant 480 : i32
      %mul3A_1068 = arith.muli %sub3A_1066, %mul3A_1067 : i32
      %add3A_1069 = arith.addi %mul3A_2, %mul3A_1068 : i32
      %dma_start3A_1070 = arith.constant 0 : i32
      %dma_start3A_1071 = tpu.memref_slice %arg4[%add3A_1069, %dma_start3A_1070] : memref<768000x128xf32, #tpu.memory_space<hbm>> -> memref<480x48xf32, #tpu.memory_space<hbm>>
      %dma_start3A_1072 = arith.constant 0 : i32
      %dma_start3A_1073 = tpu.memref_slice %arg4[%add3A_1069, %dma_start3A_1072] : memref<768000x128xf32, #tpu.memory_space<hbm>> -> memref<480x48xf32, #tpu.memory_space<hbm>>
      tpu.enqueue_dma source(%arg22 : memref<480x48xf32, #tpu.memory_space<vmem>>) target(%dma_start3A_1073 : memref<480x48xf32, #tpu.memory_space<hbm>>) target_semaphore(%arg17 : memref<!tpu.dma_semaphore, #tpu.memory_space<semaphore_mem>>)
      %add3A_1074 = arith.constant 3 : i32
      %add3A_1075 = arith.addi %add3A_970, %add3A_1074 : i32
      %lt3A_1076 = arith.constant 50 : i32
      %lt3A_1077 = arith.cmpi slt, %add3A_1075, %lt3A_1076 : i32
      %convert_element_type3A_1078 = arith.extui %lt3A_1077 : i1 to i32
      %cond3A_1079 = arith.constant 0 : i32
      %cond3A_1080 = arith.cmpi ne, %convert_element_type3A_1078, %cond3A_1079 : i32
      scf.if %cond3A_1080 {
        %add3A_1081 = arith.constant 3 : i32
        %add3A_1082 = arith.addi %add3A_970, %add3A_1081 : i32
        %mul3A_1083 = arith.constant 480 : i32
        %mul3A_1084 = arith.muli %add3A_1082, %mul3A_1083 : i32
        %add3A_1085 = arith.addi %mul3A_2, %mul3A_1084 : i32
        %dma_start3A_1086 = tpu.memref_slice %arg2[%add3A_1085] : memref<768000xi32, #tpu.memory_space<hbm>> -> memref<480xi32, #tpu.memory_space<hbm>>
        %dma_start3A_1087 = tpu.memref_slice %arg2[%add3A_1085] : memref<768000xi32, #tpu.memory_space<hbm>> -> memref<480xi32, #tpu.memory_space<hbm>>
        tpu.enqueue_dma source(%dma_start3A_1087 : memref<480xi32, #tpu.memory_space<hbm>>) target(%arg12 : memref<480xi32, #tpu.memory_space<vmem>>) target_semaphore(%arg28 : memref<!tpu.dma_semaphore, #tpu.memory_space<semaphore_mem>>)
      } else {
      }
    }
    %scan3A_397 = arith.constant 9 : i32
    %dma_wait3A_398 = arith.constant 0 : i32
    %dma_wait3A_399 = arith.constant 0 : i32
    %dma_wait3A_400 = tpu.memref_slice %arg23[%dma_wait3A_398, %dma_wait3A_399] : memref<480x48xf32, #tpu.memory_space<vmem>> -> memref<96x48xf32, #tpu.memory_space<vmem>>
    %dma_wait3A_401 = arith.constant 0 : i32
    %dma_wait3A_402 = tpu.memref_slice %arg13[%dma_wait3A_401] : memref<480xi32, #tpu.memory_space<vmem>> -> memref<96xi32, #tpu.memory_space<vmem>>
    %dma_wait3A_403 = arith.constant 0 : i32
    %dma_wait3A_404 = arith.constant 0 : i32
    %dma_wait3A_405 = tpu.memref_slice %arg25[%dma_wait3A_403, %dma_wait3A_404] : memref<2016x48xf32, #tpu.memory_space<vmem_shared>> -> memref<2016x48xf32, #tpu.memory_space<vmem_shared>>
    tpu.wait_indirect_dma semaphore(%arg8 : memref<!tpu.dma_semaphore, #tpu.memory_space<semaphore_mem>>) src(%dma_wait3A_405 : memref<2016x48xf32, #tpu.memory_space<vmem_shared>>) dst(%dma_wait3A_400 : memref<96x48xf32, #tpu.memory_space<vmem>>)
    %dma_wait3A_406 = arith.constant 96 : i32
    %dma_wait3A_407 = arith.constant 0 : i32
    %dma_wait3A_408 = tpu.memref_slice %arg23[%dma_wait3A_406, %dma_wait3A_407] : memref<480x48xf32, #tpu.memory_space<vmem>> -> memref<96x48xf32, #tpu.memory_space<vmem>>
    %dma_wait3A_409 = arith.constant 96 : i32
    %dma_wait3A_410 = tpu.memref_slice %arg13[%dma_wait3A_409] : memref<480xi32, #tpu.memory_space<vmem>> -> memref<96xi32, #tpu.memory_space<vmem>>
    %dma_wait3A_411 = arith.constant 0 : i32
    %dma_wait3A_412 = arith.constant 0 : i32
    %dma_wait3A_413 = tpu.memref_slice %arg25[%dma_wait3A_411, %dma_wait3A_412] : memref<2016x48xf32, #tpu.memory_space<vmem_shared>> -> memref<2016x48xf32, #tpu.memory_space<vmem_shared>>
    tpu.wait_indirect_dma semaphore(%arg8 : memref<!tpu.dma_semaphore, #tpu.memory_space<semaphore_mem>>) src(%dma_wait3A_413 : memref<2016x48xf32, #tpu.memory_space<vmem_shared>>) dst(%dma_wait3A_408 : memref<96x48xf32, #tpu.memory_space<vmem>>)
    %dma_wait3A_414 = arith.constant 192 : i32
    %dma_wait3A_415 = arith.constant 0 : i32
    %dma_wait3A_416 = tpu.memref_slice %arg23[%dma_wait3A_414, %dma_wait3A_415] : memref<480x48xf32, #tpu.memory_space<vmem>> -> memref<96x48xf32, #tpu.memory_space<vmem>>
    %dma_wait3A_417 = arith.constant 192 : i32
    %dma_wait3A_418 = tpu.memref_slice %arg13[%dma_wait3A_417] : memref<480xi32, #tpu.memory_space<vmem>> -> memref<96xi32, #tpu.memory_space<vmem>>
    %dma_wait3A_419 = arith.constant 0 : i32
    %dma_wait3A_420 = arith.constant 0 : i32
    %dma_wait3A_421 = tpu.memref_slice %arg25[%dma_wait3A_419, %dma_wait3A_420] : memref<2016x48xf32, #tpu.memory_space<vmem_shared>> -> memref<2016x48xf32, #tpu.memory_space<vmem_shared>>
    tpu.wait_indirect_dma semaphore(%arg8 : memref<!tpu.dma_semaphore, #tpu.memory_space<semaphore_mem>>) src(%dma_wait3A_421 : memref<2016x48xf32, #tpu.memory_space<vmem_shared>>) dst(%dma_wait3A_416 : memref<96x48xf32, #tpu.memory_space<vmem>>)
    %dma_wait3A_422 = arith.constant 288 : i32
    %dma_wait3A_423 = arith.constant 0 : i32
    %dma_wait3A_424 = tpu.memref_slice %arg23[%dma_wait3A_422, %dma_wait3A_423] : memref<480x48xf32, #tpu.memory_space<vmem>> -> memref<96x48xf32, #tpu.memory_space<vmem>>
    %dma_wait3A_425 = arith.constant 288 : i32
    %dma_wait3A_426 = tpu.memref_slice %arg13[%dma_wait3A_425] : memref<480xi32, #tpu.memory_space<vmem>> -> memref<96xi32, #tpu.memory_space<vmem>>
    %dma_wait3A_427 = arith.constant 0 : i32
    %dma_wait3A_428 = arith.constant 0 : i32
    %dma_wait3A_429 = tpu.memref_slice %arg25[%dma_wait3A_427, %dma_wait3A_428] : memref<2016x48xf32, #tpu.memory_space<vmem_shared>> -> memref<2016x48xf32, #tpu.memory_space<vmem_shared>>
    tpu.wait_indirect_dma semaphore(%arg8 : memref<!tpu.dma_semaphore, #tpu.memory_space<semaphore_mem>>) src(%dma_wait3A_429 : memref<2016x48xf32, #tpu.memory_space<vmem_shared>>) dst(%dma_wait3A_424 : memref<96x48xf32, #tpu.memory_space<vmem>>)
    %dma_wait3A_430 = arith.constant 384 : i32
    %dma_wait3A_431 = arith.constant 0 : i32
    %dma_wait3A_432 = tpu.memref_slice %arg23[%dma_wait3A_430, %dma_wait3A_431] : memref<480x48xf32, #tpu.memory_space<vmem>> -> memref<96x48xf32, #tpu.memory_space<vmem>>
    %dma_wait3A_433 = arith.constant 384 : i32
    %dma_wait3A_434 = tpu.memref_slice %arg13[%dma_wait3A_433] : memref<480xi32, #tpu.memory_space<vmem>> -> memref<96xi32, #tpu.memory_space<vmem>>
    %dma_wait3A_435 = arith.constant 0 : i32
    %dma_wait3A_436 = arith.constant 0 : i32
    %dma_wait3A_437 = tpu.memref_slice %arg25[%dma_wait3A_435, %dma_wait3A_436] : memref<2016x48xf32, #tpu.memory_space<vmem_shared>> -> memref<2016x48xf32, #tpu.memory_space<vmem_shared>>
    tpu.wait_indirect_dma semaphore(%arg8 : memref<!tpu.dma_semaphore, #tpu.memory_space<semaphore_mem>>) src(%dma_wait3A_437 : memref<2016x48xf32, #tpu.memory_space<vmem_shared>>) dst(%dma_wait3A_432 : memref<96x48xf32, #tpu.memory_space<vmem>>)
    %add3A_438 = arith.constant 23040 : i32
    %add3A_439 = arith.addi %mul3A_2, %add3A_438 : i32
    %dma_start3A_440 = arith.constant 0 : i32
    %dma_start3A_441 = tpu.memref_slice %arg4[%add3A_439, %dma_start3A_440] : memref<768000x128xf32, #tpu.memory_space<hbm>> -> memref<480x48xf32, #tpu.memory_space<hbm>>
    %dma_start3A_442 = arith.constant 0 : i32
    %dma_start3A_443 = tpu.memref_slice %arg4[%add3A_439, %dma_start3A_442] : memref<768000x128xf32, #tpu.memory_space<hbm>> -> memref<480x48xf32, #tpu.memory_space<hbm>>
    tpu.enqueue_dma source(%arg23 : memref<480x48xf32, #tpu.memory_space<vmem>>) target(%dma_start3A_443 : memref<480x48xf32, #tpu.memory_space<hbm>>) target_semaphore(%arg18 : memref<!tpu.dma_semaphore, #tpu.memory_space<semaphore_mem>>)
    %dma_wait3A_444 = arith.constant 0 : i32
    %dma_wait3A_445 = arith.constant 0 : i32
    %dma_wait3A_446 = tpu.memref_slice %arg24[%dma_wait3A_444, %dma_wait3A_445] : memref<480x48xf32, #tpu.memory_space<vmem>> -> memref<96x48xf32, #tpu.memory_space<vmem>>
    %dma_wait3A_447 = arith.constant 0 : i32
    %dma_wait3A_448 = tpu.memref_slice %arg14[%dma_wait3A_447] : memref<480xi32, #tpu.memory_space<vmem>> -> memref<96xi32, #tpu.memory_space<vmem>>
    %dma_wait3A_449 = arith.constant 0 : i32
    %dma_wait3A_450 = arith.constant 0 : i32
    %dma_wait3A_451 = tpu.memref_slice %arg25[%dma_wait3A_449, %dma_wait3A_450] : memref<2016x48xf32, #tpu.memory_space<vmem_shared>> -> memref<2016x48xf32, #tpu.memory_space<vmem_shared>>
    tpu.wait_indirect_dma semaphore(%arg9 : memref<!tpu.dma_semaphore, #tpu.memory_space<semaphore_mem>>) src(%dma_wait3A_451 : memref<2016x48xf32, #tpu.memory_space<vmem_shared>>) dst(%dma_wait3A_446 : memref<96x48xf32, #tpu.memory_space<vmem>>)
    %dma_wait3A_452 = arith.constant 96 : i32
    %dma_wait3A_453 = arith.constant 0 : i32
    %dma_wait3A_454 = tpu.memref_slice %arg24[%dma_wait3A_452, %dma_wait3A_453] : memref<480x48xf32, #tpu.memory_space<vmem>> -> memref<96x48xf32, #tpu.memory_space<vmem>>
    %dma_wait3A_455 = arith.constant 96 : i32
    %dma_wait3A_456 = tpu.memref_slice %arg14[%dma_wait3A_455] : memref<480xi32, #tpu.memory_space<vmem>> -> memref<96xi32, #tpu.memory_space<vmem>>
    %dma_wait3A_457 = arith.constant 0 : i32
    %dma_wait3A_458 = arith.constant 0 : i32
    %dma_wait3A_459 = tpu.memref_slice %arg25[%dma_wait3A_457, %dma_wait3A_458] : memref<2016x48xf32, #tpu.memory_space<vmem_shared>> -> memref<2016x48xf32, #tpu.memory_space<vmem_shared>>
    tpu.wait_indirect_dma semaphore(%arg9 : memref<!tpu.dma_semaphore, #tpu.memory_space<semaphore_mem>>) src(%dma_wait3A_459 : memref<2016x48xf32, #tpu.memory_space<vmem_shared>>) dst(%dma_wait3A_454 : memref<96x48xf32, #tpu.memory_space<vmem>>)
    %dma_wait3A_460 = arith.constant 192 : i32
    %dma_wait3A_461 = arith.constant 0 : i32
    %dma_wait3A_462 = tpu.memref_slice %arg24[%dma_wait3A_460, %dma_wait3A_461] : memref<480x48xf32, #tpu.memory_space<vmem>> -> memref<96x48xf32, #tpu.memory_space<vmem>>
    %dma_wait3A_463 = arith.constant 192 : i32
    %dma_wait3A_464 = tpu.memref_slice %arg14[%dma_wait3A_463] : memref<480xi32, #tpu.memory_space<vmem>> -> memref<96xi32, #tpu.memory_space<vmem>>
    %dma_wait3A_465 = arith.constant 0 : i32
    %dma_wait3A_466 = arith.constant 0 : i32
    %dma_wait3A_467 = tpu.memref_slice %arg25[%dma_wait3A_465, %dma_wait3A_466] : memref<2016x48xf32, #tpu.memory_space<vmem_shared>> -> memref<2016x48xf32, #tpu.memory_space<vmem_shared>>
    tpu.wait_indirect_dma semaphore(%arg9 : memref<!tpu.dma_semaphore, #tpu.memory_space<semaphore_mem>>) src(%dma_wait3A_467 : memref<2016x48xf32, #tpu.memory_space<vmem_shared>>) dst(%dma_wait3A_462 : memref<96x48xf32, #tpu.memory_space<vmem>>)
    %dma_wait3A_468 = arith.constant 288 : i32
    %dma_wait3A_469 = arith.constant 0 : i32
    %dma_wait3A_470 = tpu.memref_slice %arg24[%dma_wait3A_468, %dma_wait3A_469] : memref<480x48xf32, #tpu.memory_space<vmem>> -> memref<96x48xf32, #tpu.memory_space<vmem>>
    %dma_wait3A_471 = arith.constant 288 : i32
    %dma_wait3A_472 = tpu.memref_slice %arg14[%dma_wait3A_471] : memref<480xi32, #tpu.memory_space<vmem>> -> memref<96xi32, #tpu.memory_space<vmem>>
    %dma_wait3A_473 = arith.constant 0 : i32
    %dma_wait3A_474 = arith.constant 0 : i32
    %dma_wait3A_475 = tpu.memref_slice %arg25[%dma_wait3A_473, %dma_wait3A_474] : memref<2016x48xf32, #tpu.memory_space<vmem_shared>> -> memref<2016x48xf32, #tpu.memory_space<vmem_shared>>
    tpu.wait_indirect_dma semaphore(%arg9 : memref<!tpu.dma_semaphore, #tpu.memory_space<semaphore_mem>>) src(%dma_wait3A_475 : memref<2016x48xf32, #tpu.memory_space<vmem_shared>>) dst(%dma_wait3A_470 : memref<96x48xf32, #tpu.memory_space<vmem>>)
    %dma_wait3A_476 = arith.constant 384 : i32
    %dma_wait3A_477 = arith.constant 0 : i32
    %dma_wait3A_478 = tpu.memref_slice %arg24[%dma_wait3A_476, %dma_wait3A_477] : memref<480x48xf32, #tpu.memory_space<vmem>> -> memref<96x48xf32, #tpu.memory_space<vmem>>
    %dma_wait3A_479 = arith.constant 384 : i32
    %dma_wait3A_480 = tpu.memref_slice %arg14[%dma_wait3A_479] : memref<480xi32, #tpu.memory_space<vmem>> -> memref<96xi32, #tpu.memory_space<vmem>>
    %dma_wait3A_481 = arith.constant 0 : i32
    %dma_wait3A_482 = arith.constant 0 : i32
    %dma_wait3A_483 = tpu.memref_slice %arg25[%dma_wait3A_481, %dma_wait3A_482] : memref<2016x48xf32, #tpu.memory_space<vmem_shared>> -> memref<2016x48xf32, #tpu.memory_space<vmem_shared>>
    tpu.wait_indirect_dma semaphore(%arg9 : memref<!tpu.dma_semaphore, #tpu.memory_space<semaphore_mem>>) src(%dma_wait3A_483 : memref<2016x48xf32, #tpu.memory_space<vmem_shared>>) dst(%dma_wait3A_478 : memref<96x48xf32, #tpu.memory_space<vmem>>)
    %add3A_484 = arith.constant 23520 : i32
    %add3A_485 = arith.addi %mul3A_2, %add3A_484 : i32
    %dma_start3A_486 = arith.constant 0 : i32
    %dma_start3A_487 = tpu.memref_slice %arg4[%add3A_485, %dma_start3A_486] : memref<768000x128xf32, #tpu.memory_space<hbm>> -> memref<480x48xf32, #tpu.memory_space<hbm>>
    %dma_start3A_488 = arith.constant 0 : i32
    %dma_start3A_489 = tpu.memref_slice %arg4[%add3A_485, %dma_start3A_488] : memref<768000x128xf32, #tpu.memory_space<hbm>> -> memref<480x48xf32, #tpu.memory_space<hbm>>
    tpu.enqueue_dma source(%arg24 : memref<480x48xf32, #tpu.memory_space<vmem>>) target(%dma_start3A_489 : memref<480x48xf32, #tpu.memory_space<hbm>>) target_semaphore(%arg19 : memref<!tpu.dma_semaphore, #tpu.memory_space<semaphore_mem>>)
    %add3A_490 = arith.constant 21600 : i32
    %add3A_491 = arith.addi %mul3A_2, %add3A_490 : i32
    %dma_wait3A_492 = arith.constant 0 : i32
    %dma_wait3A_493 = tpu.memref_slice %arg4[%add3A_491, %dma_wait3A_492] : memref<768000x128xf32, #tpu.memory_space<hbm>> -> memref<480x48xf32, #tpu.memory_space<hbm>>
    %dma_wait3A_494 = arith.constant 0 : i32
    %dma_wait3A_495 = tpu.memref_slice %arg4[%add3A_491, %dma_wait3A_494] : memref<768000x128xf32, #tpu.memory_space<hbm>> -> memref<480x48xf32, #tpu.memory_space<hbm>>
    tpu.wait_dma2 semaphore(%arg15 : memref<!tpu.dma_semaphore, #tpu.memory_space<semaphore_mem>>) src(%arg20 : memref<480x48xf32, #tpu.memory_space<vmem>>) dst(%dma_wait3A_495 : memref<480x48xf32, #tpu.memory_space<hbm>>)
    %add3A_496 = arith.constant 22080 : i32
    %add3A_497 = arith.addi %mul3A_2, %add3A_496 : i32
    %dma_wait3A_498 = arith.constant 0 : i32
    %dma_wait3A_499 = tpu.memref_slice %arg4[%add3A_497, %dma_wait3A_498] : memref<768000x128xf32, #tpu.memory_space<hbm>> -> memref<480x48xf32, #tpu.memory_space<hbm>>
    %dma_wait3A_500 = arith.constant 0 : i32
    %dma_wait3A_501 = tpu.memref_slice %arg4[%add3A_497, %dma_wait3A_500] : memref<768000x128xf32, #tpu.memory_space<hbm>> -> memref<480x48xf32, #tpu.memory_space<hbm>>
    tpu.wait_dma2 semaphore(%arg16 : memref<!tpu.dma_semaphore, #tpu.memory_space<semaphore_mem>>) src(%arg21 : memref<480x48xf32, #tpu.memory_space<vmem>>) dst(%dma_wait3A_501 : memref<480x48xf32, #tpu.memory_space<hbm>>)
    %add3A_502 = arith.constant 22560 : i32
    %add3A_503 = arith.addi %mul3A_2, %add3A_502 : i32
    %dma_wait3A_504 = arith.constant 0 : i32
    %dma_wait3A_505 = tpu.memref_slice %arg4[%add3A_503, %dma_wait3A_504] : memref<768000x128xf32, #tpu.memory_space<hbm>> -> memref<480x48xf32, #tpu.memory_space<hbm>>
    %dma_wait3A_506 = arith.constant 0 : i32
    %dma_wait3A_507 = tpu.memref_slice %arg4[%add3A_503, %dma_wait3A_506] : memref<768000x128xf32, #tpu.memory_space<hbm>> -> memref<480x48xf32, #tpu.memory_space<hbm>>
    tpu.wait_dma2 semaphore(%arg17 : memref<!tpu.dma_semaphore, #tpu.memory_space<semaphore_mem>>) src(%arg22 : memref<480x48xf32, #tpu.memory_space<vmem>>) dst(%dma_wait3A_507 : memref<480x48xf32, #tpu.memory_space<hbm>>)
    %add3A_508 = arith.constant 23040 : i32
    %add3A_509 = arith.addi %mul3A_2, %add3A_508 : i32
    %dma_wait3A_510 = arith.constant 0 : i32
    %dma_wait3A_511 = tpu.memref_slice %arg4[%add3A_509, %dma_wait3A_510] : memref<768000x128xf32, #tpu.memory_space<hbm>> -> memref<480x48xf32, #tpu.memory_space<hbm>>
    %dma_wait3A_512 = arith.constant 0 : i32
    %dma_wait3A_513 = tpu.memref_slice %arg4[%add3A_509, %dma_wait3A_512] : memref<768000x128xf32, #tpu.memory_space<hbm>> -> memref<480x48xf32, #tpu.memory_space<hbm>>
    tpu.wait_dma2 semaphore(%arg18 : memref<!tpu.dma_semaphore, #tpu.memory_space<semaphore_mem>>) src(%arg23 : memref<480x48xf32, #tpu.memory_space<vmem>>) dst(%dma_wait3A_513 : memref<480x48xf32, #tpu.memory_space<hbm>>)
    %add3A_514 = arith.constant 23520 : i32
    %add3A_515 = arith.addi %mul3A_2, %add3A_514 : i32
    %dma_wait3A_516 = arith.constant 0 : i32
    %dma_wait3A_517 = tpu.memref_slice %arg4[%add3A_515, %dma_wait3A_516] : memref<768000x128xf32, #tpu.memory_space<hbm>> -> memref<480x48xf32, #tpu.memory_space<hbm>>
    %dma_wait3A_518 = arith.constant 0 : i32
    %dma_wait3A_519 = tpu.memref_slice %arg4[%add3A_515, %dma_wait3A_518] : memref<768000x128xf32, #tpu.memory_space<hbm>> -> memref<480x48xf32, #tpu.memory_space<hbm>>
    tpu.wait_dma2 semaphore(%arg19 : memref<!tpu.dma_semaphore, #tpu.memory_space<semaphore_mem>>) src(%arg24 : memref<480x48xf32, #tpu.memory_space<vmem>>) dst(%dma_wait3A_519 : memref<480x48xf32, #tpu.memory_space<hbm>>)
    return
  }
}

</mosaic_0001>

<sc_bundles>
// kernel: _encode.3.cloned.1.call-start
scs
__scs_entry_jumppad:
0x0: {  	(pc) =	sbr.rel $0x88, $3  }
0x1: {  	(tag) =	ssettag $0x0;
	lr =	simm.s32 $0x1  }
0x2: {  	[smem:$0x3F9F] =	sst lr;
	_ =	strace $0xD0000000  }
0x3: {  	_ = 	snop  }
0x4: {  	_ = 	snop  }
0x5: {  	_ = 	snop  }
0x6: {  	_ = 	snop  }
0x7: {  	_ = 	snop  }
__scs_overlays_trampoline_lowered:
0x8: {  	[smem:$0x3FAE] =	sst s0  }
0x9: {  	[smem:$0x3FAF] =	sst s1  }
0xa: {  	[smem:$0x3FB0] =	sst s2  }
0xb: {  	[smem:$0x3FB1] =	sst s3  }
0xc: {  	[smem:$0x3FB2] =	sst s4  }
0xd: {  	[smem:$0x3FB3] =	sst s5  }
0xe: {  	[smem:$0x3FB4] =	sst s6  }
0xf: {  	[smem:$0x3FB5] =	sst s7  }
0x10: {  	[smem:$0x3FB6] =	sst s8  }
0x11: {  	[smem:$0x3FB7] =	sst s9;
	s0 =	simm.s32 @!p0 $0x0  }
0x12: {  	s1 =	sld [smem:$0x3F9D];
	s0 =	simm.s32 @p0 $0x1  }
0x13: {  	[smem:$0x3FB8] =	sst s0;
	s0 =	simm.s32 @!p1 $0x0  }
0x14: {  	s2 =	sld [smem:$0x3F9C];
	s0 =	simm.s32 @p1 $0x1  }
0x15: {  	[smem:$0x3FB9] =	sst s0;
	s0 =	simm.s32 @!p2 $0x0  }
0x16: {  	s3 =	sld [smem:$0x3FDB];
	s0 =	simm.s32 @p2 $0x1  }
0x17: {  	s4 =	simm.s32 $0x1BF5;
	[smem:$0x3FBB] =	sst s0  }
0x18: {  	s0 =	sld [smem:$0x3F9E];
	_ =	swait.ge [sflag:s4], $0x0  }
0x19: {  	s7 =	sld [smem:$0x3F9F]  }
0x1a: {  	s8 =	sadd.s32 $0xFFFFE003, lr  }
0x1b: {  	s9 =	sadd.s32 $0xFFFFFEF7, lr;
	s5 =	simm.s32 $0xFFFFFFFF;
	p2 =	slt.u32 s8, $0xFFFFF086  }
0x1c: {  	p1 =	slt.u32 s9, $0xF7A;
	s5 =	simm.s32 @!p2 $0x0  }
0x1d: {  	s5 =	simm.s32 @p1 $0x1;
	p0 =	seq.s32 s7, s2  }
0x1e: {  	s7 =	smul.u32 @!p0 $0xF7A, s2;
	p2 =	seq.s32 @!p0 s5, $0x0  }
0x1f: {  	s9 =	smul.u32 $0xF7A, s1;
	s8 =	simm.s32 @!p0 $0x1BF5;
	p2 =	por !p2, p0  }
0x20: {  	[sflag:s8] =	ssyncset.s32 @!p0 $0xFFFFF086;
	s6 =	sadd.s32 @!p0 s3, s7;
	s7 =	simm.s32 @!p0 $0x108  }
0x21: {  	s3 =	sadd.s32 s3, s9;
	s6 =	sadd.s32 @!p0 $0x88, s6;
	s7 =	simm.s32 @p2 $0x1082  }
0x22: {  	[simem:s7], [sflag:s8] =	dma.local @!p0 [hbm:s6], $0xF7A  }
0x23: {  	s9 =	sor.u32 $0xD0000000, s2;
	s6 =	simm.s32 $0x108;
	_ =	swait.ge @!p0 [sflag:s8], $0x0  }
0x24: {  	s3 =	sadd.s32 $0x88, s3;
	s6 =	simm.s32 @!p1 $0x1082;
	[sflag:s4] =	ssyncset.s32 $0xFFFFF086  }
0x25: {  	[simem:s6], [sflag:s4] =	dma.local [hbm:s3], $0xF7A  }
0x26: {  	[smem:$0x3F9F] =	sst s1;
	(tag) =	ssettag s2;
	_ =	strace s9  }
0x27: {  	s1 =	sld [smem:$0x3FAF]  }
0x28: {  	s2 =	sld [smem:$0x3FB0]  }
0x29: {  	s4 =	sld [smem:$0x3FB2]  }
0x2a: {  	p0 =	seq.s32 s5, $0x0;
	s5 =	sld [smem:$0x3FB3]  }
0x2b: {  	s6 =	sld [smem:$0x3FB4]  }
0x2c: {  	s7 =	sld [smem:$0x3FB5]  }
0x2d: {  	s3 =	simm.s32 $0x108;
	s8 =	sld [smem:$0x3FB6]  }
0x2e: {  	s3 =	simm.s32 @!p0 $0x1082;
	s9 =	sld [smem:$0x3FB7]  }
0x2f: {  	lr =	sadd.s32 s0, s3;
	s0 =	sld [smem:$0x3FAE]  }
0x30: {  	s3 =	sld [smem:$0x3FB1]  }
0x31: {  	[smem:$0x3FBA] =	sst s10  }
0x32: {  	s10 =	sld [smem:$0x3FB8];
	_ =	sdelay $0x3  }
0x33: {  	p0 =	seq.s32 s10, $0x1;
	s10 =	sld [smem:$0x3FBA];
	_ =	sdelay $0x3  }
0x34: {  	[smem:$0x3FBA] =	sst s10  }
0x35: {  	s10 =	sld [smem:$0x3FB9];
	_ =	sdelay $0x3  }
0x36: {  	p1 =	seq.s32 s10, $0x1;
	s10 =	sld [smem:$0x3FBA];
	_ =	sdelay $0x3  }
0x37: {  	[smem:$0x3FBA] =	sst s10  }
0x38: {  	s10 =	sld [smem:$0x3FBB]  }
0x39: {  	_ = 	snop;
	(pc) =	sbr.ind lr, $3  }
0x3a: {  	_ = 	snop  }
0x3b: {  	_ = 	snop  }
0x3c: {  	p2 =	seq.s32 s10, $0x1;
	s10 =	sld [smem:$0x3FBA]  }
0x3d: {  	_ =	shalt  }
0x3e: {  	_ =	shalt  }
0x3f: {  	_ =	shalt  }
0x40: {  	_ =	shalt  }
0x41: {  	_ =	shalt  }
0x42: {  	_ =	shalt  }
0x43: {  	_ =	shalt  }
0x44: {  	_ =	shalt  }
0x45: {  	_ =	shalt  }
0x46: {  	_ =	shalt  }
0x47: {  	_ =	shalt  }
0x48: {  	_ =	shalt  }
0x49: {  	_ =	shalt  }
0x4a: {  	_ =	shalt  }
0x4b: {  	_ =	shalt  }
0x4c: {  	_ =	shalt  }
0x4d: {  	_ =	shalt  }
0x4e: {  	_ =	shalt  }
0x4f: {  	_ =	shalt  }
0x50: {  	_ =	shalt  }
0x51: {  	_ =	shalt  }
0x52: {  	_ =	shalt  }
0x53: {  	_ =	shalt  }
0x54: {  	_ =	shalt  }
0x55: {  	_ =	shalt  }
0x56: {  	_ =	shalt  }
0x57: {  	_ =	shalt  }
0x58: {  	_ =	shalt  }
0x59: {  	_ =	shalt  }
0x5a: {  	_ =	shalt  }
0x5b: {  	_ =	shalt  }
0x5c: {  	_ =	shalt  }
0x5d: {  	_ =	shalt  }
0x5e: {  	_ =	shalt  }
0x5f: {  	_ =	shalt  }
0x60: {  	_ =	shalt  }
0x61: {  	_ =	shalt  }
0x62: {  	_ =	shalt  }
0x63: {  	_ =	shalt  }
0x64: {  	_ =	shalt  }
0x65: {  	_ =	shalt  }
0x66: {  	_ =	shalt  }
0x67: {  	_ =	shalt  }
0x68: {  	_ =	shalt  }
0x69: {  	_ =	shalt  }
0x6a: {  	_ =	shalt  }
0x6b: {  	_ =	shalt  }
0x6c: {  	_ =	shalt  }
0x6d: {  	_ =	shalt  }
0x6e: {  	_ =	shalt  }
0x6f: {  	_ =	shalt  }
0x70: {  	_ =	shalt  }
0x71: {  	_ =	shalt  }
0x72: {  	_ =	shalt  }
0x73: {  	_ =	shalt  }
0x74: {  	_ =	shalt  }
0x75: {  	_ =	shalt  }
0x76: {  	_ =	shalt  }
0x77: {  	_ =	shalt  }
0x78: {  	_ =	shalt  }
0x79: {  	_ =	shalt  }
0x7a: {  	_ =	shalt  }
0x7b: {  	_ =	shalt  }
0x7c: {  	_ =	shalt  }
0x7d: {  	_ =	shalt  }
0x7e: {  	_ =	shalt  }
0x7f: {  	_ =	shalt  }
0x80: {  	_ =	shalt  }
0x81: {  	_ =	shalt  }
0x82: {  	_ =	shalt  }
0x83: {  	_ =	shalt  }
0x84: {  	_ =	shalt  }
0x85: {  	_ =	shalt  }
0x86: {  	_ =	shalt  }
0x87: {  	_ =	shalt  }
.Lfunc_end0:
.L_simem_size_0:
called_computation_lowered:
.L_overlay_start_0:
0x88: {  	s2 =	sld [smem:$0x3FD9]  }
0x89: {  	s3 =	sld [smem:$0x3FFE];
	_ =	sdelay $0x1  }
0x8a: {  	s1 =	srdreg.scid  }
0x8b: {  	s0 =	sand.u32 $0x1, s1  }
0x8c: {  	s17 =	sshll.u32 s0, $0xA;
	s2 =	sadd.s32 s3, s2  }
0x8d: {  	s2 =	sadd.s32 s2, s17  }
0x8e: {  	[smem:$0x3FC6] =	sst s2  }
0x8f: {  	_ = 	snop  }
0x90: {  	s2 =	sld [smem:$0x3FC9]  }
0x91: {  	s18 =	sld [smem:$0x3FD0];
	(tm) =	ssettm $0x1  }
0x92: {  	s4 =	sld [smem:$0x3FFB];
	_ =	sdelay $0x3  }
0x93: {  	_ =	strace s4  }
0x94: {  	s4 =	sld [smem:$0x3FFC];
	_ =	sdelay $0x3  }
0x95: {  	_ =	strace s4  }
0x96: {  	s4 =	sld [smem:$0x3FFD];
	_ =	sdelay $0x3  }
0x97: {  	_ =	strace s4  }
0x98: {  	_ =	strace $0x8FFFFFFF  }
0x99: {  	s19 =	sld [smem:$0x3FDB];
	_ =	sdelay $0x1  }
0x9a: {  	s5 =	simm.s32 $_scs_section_size  }
0x9b: {  	s6 =	simm.s32 $_size__tile_overlayer_lowered;
	s7 =	simm.s32 $_tile_overlayer_lowered  }
0x9c: {  	s22 =	simm.s32 $0x1BFF;
	s21 =	sshll.u32 s7, $0x1;
	s4 =	sadd.s32 s5, s19  }
0x9d: {  	s8 =	simm.s32 $0x0;
	s20 =	sshll.u32 s6, $0x1;
	s6 =	sadd.s32 s21, s4  }
0x9e: {  	[timem:s8], [sflag:s22] =	dma.local [hbm:s6], s20  }
0x9f: {  	_ =	swait.ge [sflag:s22], s20  }
0xa0: {  	s5 =	ssub.s32 $0x0, s20;
	[sflag:s22] =	ssyncset.done $0x0  }
0xa1: {  	[sflag:s22] =	ssyncadd.s32 s5;
	_ =	sdelay $0x1  }
0xa2: {  	s23 =	simm.s32 $0x1B8B  }
0xa3: {  	_ =	swait.ge [sflag:s23], $0x1  }
0xa4: {  	[sflag:s23] =	ssyncset.done $0x0  }
0xa5: {  	s25 =	simm.s32 $0x1B8E;
	s24 =	sld [smem:$0x3FFE];
	[sflag:s23] =	ssyncadd.s32 $0xFFFFFFFF  }
0xa6: {  	s26 =	simm.s32 $execute0_lowered;
	[smem:$0x3FD2] =	sst s25  }
0xa7: {  	s6 =	sshll.u32 s26, $0x1;
	_ =	strace $0x80000046;
	[dreg:$0x1] =	wrdreg $0xFFFFFFFF  }
0xa8: {  	s28 =	simm.s32 $_size_execute0_lowered;
	s4 =	sadd.s32 s4, s6;
	[dreg:$0x0] =	wrdreg $0x0  }
0xa9: {  	s6 =	sshll.u32 s28, $0x1;
	[dreg:$0x2] =	wrdreg s4  }
0xaa: {  	[dreg:$0x3] =	wrdreg s6  }
0xab: {  	[dreg:$0x4] =	wrdreg $0xC0  }
0xac: {  	_ =	task [dreg:s8], $0x5FFFF  }
0xad: {  	[dreg:$0x1] =	wrdreg $0xFFFFFFFF  }
0xae: {  	[dreg:$0x0] =	wrdreg $0x60  }
0xaf: {  	[dreg:$0x2] =	wrdreg s2  }
0xb0: {  	[dreg:$0x3] =	wrdreg s24  }
0xb1: {  	[dreg:$0x4] =	wrdreg s18  }
0xb2: {  	[dreg:$0x5] =	wrdreg $0x1CB600  }
0xb3: {  	[dreg:$0x6] =	wrdreg $0x9  }
0xb4: {  	_ =	task.clear_ibuf [dreg:s8], $0x7FFFF;
	_ =	strace $0x90000046  }
0xb5: {  	s29 =	simm.s32 $0x9;
	_ =	strace $0x80000048  }
0xb6: {  	_ =	swait.ge [sflag:s29], $0x1  }
0xb7: {  	[sflag:s29] =	ssyncadd.s32 $0xFFFFFFFF  }
0xb8: {  	_ =	strace $0x90000048  }
0xb9: {  	_ =	sfence  }
0xba: {  	s30 =	sld [smem:$0x0];
	_ =	sdelay $0x2  }
0xbb: {  	s31 =	sshll.u32 s1, $0xD;
	s1 =	sshrl.u32 s1, $0x2  }
0xbc: {  	s3 =	sand.u32 $0x4000, s31;
	s1 =	sadd.s32 s1, s30  }
0xbd: {  	s0 =	sor.u32 s3, s0;
	s1 =	sshll.u32 s1, $0x11  }
0xbe: {  	s0 =	sor.u32 s1, s0  }
0xbf: {  	s0 =	sadd.s32 $0x8F2B, s0  }
0xc0: {  	[sflag:s0] =	ssyncadd.remote.s32 $0x1  }
0xc1: {  	_ =	sfence.sel $0xFFFF  }
0xc2: {  	[dreg:$0x0] =	wrdreg $0xFFFFFFFF;
	(pc) =	sbr.abs _section_cstart, $3  }
0xc3: {  	[dreg:$0x1] =	wrdreg $0xFFFFFFFF  }
0xc4: {  	_ =	task.clear_ibuf [dreg:s8], $0x2FFFF;
	_ =	strace $0x9FFFFFFF  }
0xc5: {  	(tm) =	ssettm $0x7FFFFFFF  }
tec
execute0_lowered:
.L_overlay_start_1:
0x0: {  	(tag) =	ssettag $0x1  }
0x1: {  	s4 =	rddreg [dreg:$0x0]  }
0x2: {  	s5 =	rddreg [dreg:$0x1]  }
0x3: {  	s3 =	rddreg [dreg:$0x2]  }
0x4: {  	s2 =	srdreg.scid;
	s0 =	stileid.u32  }
0x5: {  	s1 =	rddreg [dreg:$0x3];
	s28 =	simm.s32 $0x80;
	s31 =	simm.s32 $0x6360  }
0x6: {  	s29 =	simm.s32 $0x17160;
	s6 =	sand.u32 $0x1, s2;
	s7 =	sshll.u32 s0, $0x1  }
0x7: {  	s2 =	simm.s32 $0x0;
	s5 =	sadd.s32 $0x400, s5;
	s25 =	smul.u32 $0xBB80, s0  }
0x8: {  	s7 =	sor.u32 s6, s7;
	s8 =	ssub.s32 $0x2, s6;
	s6 =	smul.u32 $0x5DC0, s6  }
0x9: {  	p0 =	sne.s32 s0, $0x0;
	[smem:$0x7FF] =	sst s2;
	s9 =	smul.u32 $0x5DC0, s7  }
0xa: {  	s0 =	simm.s32 $0x60;
	_ =	strace $0x80000047;
	s11 =	smul.u32 $0x5DC00, s7  }
0xb: {  	[dreg:$0x5] =	wrdreg s5;
	s18 =	sshrl.u32 s8, $0x1;
	s7 =	smul.u32 $0x2EE000, s7  }
0xc: {  	s5 =	ssub.s32 s8, s18;
	s6 =	sadd.s32 s6, s25;
	s19 =	sshrl.u32 s9, $0x3  }
0xd: {  	s10 =	sadd.s32 $0x1E0, s9;
	s9 =	sadd.s32 $0x3C0, s9;
	s24 =	sadd.s32 s3, s11  }
0xe: {  	s7 =	sshrl.u32 s7, $0x3;
	s5 =	smax.u32 s5, $0x1;
	s13 =	sadd.s32 $0x12C0, s6  }
0xf: {  	s15 =	sadd.s32 $0x10E0, s6;
	s17 =	sadd.s32 $0xF00, s6;
	[dreg:$0xb] =	wrdreg s24  }
0x10: {  	s12 =	sadd.s32 s4, s19;
	s20 =	sshrl.u32 s10, $0x3;
	[dreg:$0x11] =	wrdreg s5  }
0x11: {  	s21 =	sshrl.u32 s9, $0x3;
	s8 =	sadd.s32 s4, s20;
	[dreg:$0x6] =	wrdreg s12  }
0x12: {  	s10 =	sshll.u32 s10, $0x4;
	s22 =	sadd.s32 $0xB4, s12;
	[dreg:$0x7] =	wrdreg s8  }
0x13: {  	s9 =	sshll.u32 s9, $0x4;
	s23 =	sadd.s32 $0xF0, s12;
	[dreg:$0x9] =	wrdreg s22  }
0x14: {  	s7 =	sadd.s32 s3, s7;
	s26 =	sadd.s32 $0x12C, s12;
	[dreg:$0xa] =	wrdreg s23  }
0x15: {  	s14 =	sshrl.u32 s13, $0x3;
	s10 =	sadd.s32 s3, s10;
	[dreg:$0xc] =	wrdreg s26  }
0x16: {  	s16 =	sshrl.u32 s15, $0x3;
	s9 =	sadd.s32 s3, s9;
	[dreg:$0xd] =	wrdreg s10  }
0x17: {  	s18 =	sshrl.u32 s17, $0x3;
	s30 =	sadd.s32 $0x5A000, s7;
	[dreg:$0xe] =	wrdreg s9  }
0x18: {  	s15 =	simm.s32 $0x4;
	s7 =	sadd.s32 $0x5BE00, s7;
	[dreg:$0xf] =	wrdreg s30  }
0x19: {  	s17 =	simm.s32 $0xA;
	s8 =	sadd.s32 s4, s21;
	[dreg:$0x10] =	wrdreg s7  }
0x1a: {  	s10 =	sadd.s32 $0x14A0, s6;
	s26 =	sadd.s32 $0x168, s12;
	[dreg:$0x8] =	wrdreg s8  }
0x1b: {  	s30 =	sadd.s32 $0x1A4, s12;
	s8 =	sadd.s32 $0x1680, s6;
	[dreg:$0x1c] =	wrdreg s26  }
0x1c: {  	s11 =	sshrl.u32 s10, $0x3;
	s6 =	sshll.u32 s6, $0x4;
	[dreg:$0x1d] =	wrdreg s30  }
0x1d: {  	s26 =	simm.s32 $0x1;
	s10 =	simm.s32 $0x3;
	s9 =	sshrl.u32 s8, $0x3  }
0x1e: {  	s19 =	sadd.s32 $0x20007800, s6;
	s20 =	sadd.s32 $0x20005A00, s6;
	s21 =	sadd.s32 s3, s6  }
0x1f: {  	s8 =	simm.s32 $0x5;
	s5 =	sadd.s32 s9, s4;
	s22 =	sand.u32 $0x3FFFC00, s19  }
0x20: {  	s23 =	sadd.s32 $0xD200, s21;
	s24 =	sadd.s32 $0xB400, s21;
	[dreg:$0x12] =	wrdreg s5  }
0x21: {  	s25 =	sadd.s32 $0x9600, s21;
	s21 =	simm.s32 $0x7;
	[dreg:$0x19] =	wrdreg s23  }
0x22: {  	s9 =	simm.s32 $0x8;
	s5 =	sadd.s32 s11, s4;
	[dreg:$0x1a] =	wrdreg s24  }
0x23: {  	s6 =	sadd.s32 s22, s3;
	[dreg:$0x1b] =	wrdreg s25;
	s23 =	simm.s32 $0x30  }
0x24: {  	s22 =	simm.s32 $0x2;
	s11 =	simm.s32 $0x6;
	[dreg:$0x13] =	wrdreg s5  }
.Ltmp0:
0x25: {  	s5 =	sadd.s32 s14, s4;
	[dreg:$0x17] =	wrdreg s6;
	(pc) =	sbr.rel .LBB2_1-.Ltmp0, $4  }
0x26: {  	[dreg:$0x14] =	wrdreg s5;
	s5 =	sadd.s32 s16, s4;
	s4 =	sadd.s32 s18, s4  }
0x27: {  	s24 =	simm.s32 $0x11760;
	[dreg:$0x16] =	wrdreg s4;
	s4 =	sand.u32 $0x3FFFE00, s20  }
0x28: {  	s6 =	simm.s32 $0x3C0;
	[dreg:$0x15] =	wrdreg s5;
	s3 =	sadd.s32 s4, s3  }
0x29: {  	s16 =	simm.s32 $0x9;
	s4 =	simm.s32 $0x0;
	[dreg:$0x18] =	wrdreg s3  }
.LBB2_4:
0x2a: {  	_ =	swait.ge [sflag:s15], $0x1200  }
0x2b: {  	[sflag:s15] =	ssyncset.done $0x0  }
0x2c: {  	[sflag:s15] =	ssyncadd.s32 $0xFFFFEE00  }
0x2d: {  	_ =	swait.ge [sflag:s15], $0x1200  }
0x2e: {  	[sflag:s15] =	ssyncset.done $0x0  }
0x2f: {  	[sflag:s15] =	ssyncadd.s32 $0xFFFFEE00  }
0x30: {  	_ =	swait.ge [sflag:s15], $0x1200  }
0x31: {  	[sflag:s15] =	ssyncset.done $0x0  }
0x32: {  	[sflag:s15] =	ssyncadd.s32 $0xFFFFEE00  }
0x33: {  	_ =	swait.ge [sflag:s15], $0x1200  }
0x34: {  	[sflag:s15] =	ssyncset.done $0x0  }
0x35: {  	[sflag:s15] =	ssyncadd.s32 $0xFFFFEE00  }
0x36: {  	_ =	swait.ge [sflag:s15], $0x1200  }
0x37: {  	[sflag:s15] =	ssyncset.done $0x0  }
0x38: {  	s3 =	rddreg [dreg:$0xf];
	[sflag:s15] =	ssyncadd.s32 $0xFFFFEE00  }
0x39: {  	[hbm4b:s3+s23] =	stream.strided.scatter [tilespmem:s7], [sflag:$0x9], $0x5A00, s28, s23, $0x38;
	[tilespmem:$0x1E300] =	vst v63  }
0x3a: {  	_ =	swait.ge [sflag:s8], $0x1200  }
0x3b: {  	[sflag:s8] =	ssyncset.done $0x0  }
0x3c: {  	[sflag:s8] =	ssyncadd.s32 $0xFFFFEE00  }
0x3d: {  	_ =	swait.ge [sflag:s8], $0x1200  }
0x3e: {  	[sflag:s8] =	ssyncset.done $0x0  }
0x3f: {  	[sflag:s8] =	ssyncadd.s32 $0xFFFFEE00  }
0x40: {  	_ =	swait.ge [sflag:s8], $0x1200  }
0x41: {  	[sflag:s8] =	ssyncset.done $0x0  }
0x42: {  	[sflag:s8] =	ssyncadd.s32 $0xFFFFEE00  }
0x43: {  	_ =	swait.ge [sflag:s8], $0x1200  }
0x44: {  	[sflag:s8] =	ssyncset.done $0x0  }
0x45: {  	[sflag:s8] =	ssyncadd.s32 $0xFFFFEE00  }
0x46: {  	_ =	swait.ge [sflag:s8], $0x1200  }
0x47: {  	[sflag:s8] =	ssyncset.done $0x0  }
0x48: {  	s25 =	rddreg [dreg:$0x10];
	[sflag:s8] =	ssyncadd.s32 $0xFFFFEE00  }
0x49: {  	[hbm4b:s25+s23] =	stream.strided.scatter [tilespmem:s13], [sflag:$0xA], $0x5A00, s28, s23, $0x38;
	[tilespmem:$0x1E300] =	vst v63  }
0x4a: {  	_ =	swait.ge [sflag:s11], $0x5A00  }
0x4b: {  	[sflag:s11] =	ssyncset.done $0x0  }
0x4c: {  	[sflag:s11] =	ssyncadd.s32 $0xFFFFA600  }
0x4d: {  	_ =	swait.ge [sflag:s21], $0x5A00  }
0x4e: {  	[sflag:s21] =	ssyncset.done $0x0  }
0x4f: {  	[sflag:s21] =	ssyncadd.s32 $0xFFFFA600  }
0x50: {  	_ =	swait.ge [sflag:s9], $0x5A00  }
0x51: {  	[sflag:s9] =	ssyncset.done $0x0  }
0x52: {  	[sflag:s9] =	ssyncadd.s32 $0xFFFFA600  }
0x53: {  	_ =	swait.ge [sflag:s16], $0x5A00  }
0x54: {  	[sflag:s16] =	ssyncset.done $0x0  }
0x55: {  	[sflag:s16] =	ssyncadd.s32 $0xFFFFA600  }
0x56: {  	_ =	swait.ge [sflag:s17], $0x5A00  }
0x57: {  	s4 =	rddreg [dreg:$0x1e]  }
0x58: {  	s30 =	rddreg [dreg:$0x11];
	s4 =	sadd.s32 $0x1, s4  }
0x59: {  	p1 =	sne.s32 s4, s30  }
.Ltmp1:
0x5a: {  	_ = 	snop;
	(pc) =	sbr.rel @!p1 .LBB2_5-.Ltmp1, $3  }
0x5b: {  	_ =	sdelay $0x1  }
0x5c: {  	[sflag:s17] =	ssyncset.done $0x0  }
0x5d: {  	s6 =	simm.s32 $0x3C0;
	[sflag:s17] =	ssyncadd.s32 $0xFFFFA600  }
.LBB2_1:
0x5e: {  	[dreg:$0x1e] =	wrdreg s4  }
0x5f: {  	s3 =	sshrl.u32 @!p0 s1, $0x3;
	s12 =	simm.s32 @!p0 $0x1C10;
	s4 =	rddreg [dreg:$0x5]  }
0x60: {  	[spmem:s3], [sflag:s12] =	dma.local @!p0 [hbm:s4], $0x2F40  }
0x61: {  	s3 =	simm.s32 @!p0 $0x10  }
0x62: {  	_ =	swait.ge @!p0 [sflag:s3], $0x2F40  }
0x63: {  	[sflag:s3] =	ssyncset.done @!p0 $0x0  }
0x64: {  	[sflag:s3] =	ssyncadd.s32 @!p0 $0xFFFFD0C0  }
0x65: {  	[bflag:$0x0] =	sbarrier.arrive $0xFFFF  }
0x66: {  	s19 =	rddreg [dreg:$0x6]  }
0x67: {  	[tilespmem:s2], [sflag:$0xB] =	stream.linear.gather [hbm4b:s19+s2], $0x1E0, $0x38;
	[tilespmem:$0x1E300] =	vst v63  }
0x68: {  	s4 =	simm.s32 $0x1E0;
	s20 =	rddreg [dreg:$0x7]  }
0x69: {  	[tilespmem:s4], [sflag:$0xC] =	stream.linear.gather [hbm4b:s20+s2], $0x1E0, $0x38;
	[tilespmem:$0x1E300] =	vst v63  }
0x6a: {  	s5 =	simm.s32 $0xB;
	s25 =	rddreg [dreg:$0x8]  }
0x6b: {  	[tilespmem:s6], [sflag:$0xD] =	stream.linear.gather [hbm4b:s25+s2], $0x1E0, $0x38;
	[tilespmem:$0x1E300] =	vst v63  }
0x6c: {  	_ =	swait.ge [sflag:s5], $0x1E0  }
0x6d: {  	[sflag:s5] =	ssyncset.done $0x0  }
0x6e: {  	s12 =	simm.s32 $0x960;
	[sflag:s5] =	ssyncadd.s32 $0xFFFFFE20  }
0x6f: {  	[tilespmem:s12], [sflag:$0x1] =	stream.indirect.gather [spmem:s1], $0x30, s2, s0, $0xb8;
	[tilespmem:$0x1E300] =	vst v63  }
0x70: {  	s7 =	simm.s32 $0x1B60  }
0x71: {  	[tilespmem:s7], [sflag:$0x1] =	stream.indirect.gather [spmem:s1], $0x30, s0, s0, $0xb8;
	[tilespmem:$0x1E300] =	vst v63  }
0x72: {  	s13 =	simm.s32 $0xC0;
	s14 =	simm.s32 $0x2D60  }
0x73: {  	[tilespmem:s14], [sflag:$0x1] =	stream.indirect.gather [spmem:s1], $0x30, s13, s0, $0xb8;
	[tilespmem:$0x1E300] =	vst v63  }
0x74: {  	s18 =	simm.s32 $0x3F60;
	s14 =	simm.s32 $0x120  }
0x75: {  	[tilespmem:s18], [sflag:$0x1] =	stream.indirect.gather [spmem:s1], $0x30, s14, s0, $0xb8;
	[tilespmem:$0x1E300] =	vst v63  }
0x76: {  	s19 =	simm.s32 $0x180;
	s20 =	simm.s32 $0x5160  }
0x77: {  	[tilespmem:s20], [sflag:$0x1] =	stream.indirect.gather [spmem:s1], $0x30, s19, s0, $0xb8;
	[tilespmem:$0x1E300] =	vst v63  }
0x78: {  	s25 =	rddreg [dreg:$0x9];
	s5 =	simm.s32 $0xC;
	s7 =	simm.s32 $0x5A0  }
0x79: {  	[tilespmem:s7], [sflag:$0xE] =	stream.linear.gather [hbm4b:s25+s2], $0x1E0, $0x38;
	[tilespmem:$0x1E300] =	vst v63  }
0x7a: {  	_ =	swait.ge [sflag:s5], $0x1E0  }
0x7b: {  	[sflag:s5] =	ssyncset.done $0x0  }
0x7c: {  	s14 =	simm.s32 $0x6360;
	[sflag:s5] =	ssyncadd.s32 $0xFFFFFE20  }
0x7d: {  	[tilespmem:s14], [sflag:$0x2] =	stream.indirect.gather [spmem:s1], $0x30, s4, s0, $0xb8;
	[tilespmem:$0x1E300] =	vst v63  }
0x7e: {  	s13 =	simm.s32 $0x240;
	s18 =	simm.s32 $0x7560  }
0x7f: {  	[tilespmem:s18], [sflag:$0x2] =	stream.indirect.gather [spmem:s1], $0x30, s13, s0, $0xb8;
	[tilespmem:$0x1E300] =	vst v63  }
0x80: {  	s20 =	simm.s32 $0x2A0;
	s25 =	simm.s32 $0x8760  }
0x81: {  	[tilespmem:s25], [sflag:$0x2] =	stream.indirect.gather [spmem:s1], $0x30, s20, s0, $0xb8;
	[tilespmem:$0x1E300] =	vst v63  }
0x82: {  	s5 =	simm.s32 $0x300;
	s13 =	simm.s32 $0x9960  }
0x83: {  	[tilespmem:s13], [sflag:$0x2] =	stream.indirect.gather [spmem:s1], $0x30, s5, s0, $0xb8;
	[tilespmem:$0x1E300] =	vst v63  }
0x84: {  	s18 =	simm.s32 $0x360;
	s20 =	simm.s32 $0xAB60  }
0x85: {  	[tilespmem:s20], [sflag:$0x2] =	stream.indirect.gather [spmem:s1], $0x30, s18, s0, $0xb8;
	[tilespmem:$0x1E300] =	vst v63  }
0x86: {  	s25 =	rddreg [dreg:$0xa];
	s13 =	simm.s32 $0x780;
	s5 =	simm.s32 $0xD  }
0x87: {  	[tilespmem:s13], [sflag:$0xF] =	stream.linear.gather [hbm4b:s25+s2], $0x1E0, $0x38;
	[tilespmem:$0x1E300] =	vst v63  }
0x88: {  	_ =	swait.ge [sflag:s5], $0x1E0  }
0x89: {  	[sflag:s5] =	ssyncset.done $0x0  }
0x8a: {  	[sflag:s5] =	ssyncadd.s32 $0xFFFFFE20;
	s5 =	simm.s32 $0xBD60  }
0x8b: {  	[tilespmem:s5], [sflag:$0x3] =	stream.indirect.gather [spmem:s1], $0x30, s6, s0, $0xb8;
	[tilespmem:$0x1E300] =	vst v63  }
0x8c: {  	s18 =	simm.s32 $0x420;
	s25 =	simm.s32 $0xCF60  }
0x8d: {  	[tilespmem:s25], [sflag:$0x3] =	stream.indirect.gather [spmem:s1], $0x30, s18, s0, $0xb8;
	[tilespmem:$0x1E300] =	vst v63  }
0x8e: {  	s18 =	simm.s32 $0x480;
	s25 =	simm.s32 $0xE160  }
0x8f: {  	[tilespmem:s25], [sflag:$0x3] =	stream.indirect.gather [spmem:s1], $0x30, s18, s0, $0xb8;
	[tilespmem:$0x1E300] =	vst v63  }
0x90: {  	s18 =	simm.s32 $0x4E0;
	s25 =	simm.s32 $0xF360  }
0x91: {  	[tilespmem:s25], [sflag:$0x3] =	stream.indirect.gather [spmem:s1], $0x30, s18, s0, $0xb8;
	[tilespmem:$0x1E300] =	vst v63  }
0x92: {  	s18 =	simm.s32 $0x540;
	s25 =	simm.s32 $0x10560  }
0x93: {  	[tilespmem:s25], [sflag:$0x3] =	stream.indirect.gather [spmem:s1], $0x30, s18, s0, $0xb8;
	[tilespmem:$0x1E300] =	vst v63  }
0x94: {  	_ =	swait.ge [sflag:s26], $0x1200  }
0x95: {  	[sflag:s26] =	ssyncset.done $0x0  }
0x96: {  	[sflag:s26] =	ssyncadd.s32 $0xFFFFEE00  }
0x97: {  	_ =	swait.ge [sflag:s26], $0x1200  }
0x98: {  	[sflag:s26] =	ssyncset.done $0x0  }
0x99: {  	[sflag:s26] =	ssyncadd.s32 $0xFFFFEE00  }
0x9a: {  	_ =	swait.ge [sflag:s26], $0x1200  }
0x9b: {  	[sflag:s26] =	ssyncset.done $0x0  }
0x9c: {  	[sflag:s26] =	ssyncadd.s32 $0xFFFFEE00  }
0x9d: {  	_ =	swait.ge [sflag:s26], $0x1200  }
0x9e: {  	[sflag:s26] =	ssyncset.done $0x0  }
0x9f: {  	[sflag:s26] =	ssyncadd.s32 $0xFFFFEE00  }
0xa0: {  	_ =	swait.ge [sflag:s26], $0x1200  }
0xa1: {  	[sflag:s26] =	ssyncset.done $0x0  }
0xa2: {  	s25 =	rddreg [dreg:$0xb];
	[sflag:s26] =	ssyncadd.s32 $0xFFFFEE00  }
0xa3: {  	[hbm4b:s25+s23] =	stream.strided.scatter [tilespmem:s12], [sflag:$0x6], $0x5A00, s28, s23, $0x38;
	[tilespmem:$0x1E300] =	vst v63  }
0xa4: {  	s18 =	simm.s32 $0xE;
	s12 =	rddreg [dreg:$0xc]  }
0xa5: {  	[tilespmem:s2], [sflag:$0xB] =	stream.linear.gather [hbm4b:s12+s2], $0x1E0, $0x38;
	[tilespmem:$0x1E300] =	vst v63  }
0xa6: {  	_ =	swait.ge [sflag:s18], $0x1E0  }
0xa7: {  	[sflag:s18] =	ssyncset.done $0x0  }
0xa8: {  	s19 =	simm.s32 $0x11760;
	[sflag:s18] =	ssyncadd.s32 $0xFFFFFE20  }
0xa9: {  	[tilespmem:s19], [sflag:$0x4] =	stream.indirect.gather [spmem:s1], $0x30, s7, s0, $0xb8;
	[tilespmem:$0x1E300] =	vst v63  }
0xaa: {  	s25 =	simm.s32 $0x12960;
	s19 =	simm.s32 $0x600  }
0xab: {  	[tilespmem:s25], [sflag:$0x4] =	stream.indirect.gather [spmem:s1], $0x30, s19, s0, $0xb8;
	[tilespmem:$0x1E300] =	vst v63  }
0xac: {  	s12 =	simm.s32 $0x660;
	s18 =	simm.s32 $0x13B60  }
0xad: {  	[tilespmem:s18], [sflag:$0x4] =	stream.indirect.gather [spmem:s1], $0x30, s12, s0, $0xb8;
	[tilespmem:$0x1E300] =	vst v63  }
0xae: {  	s19 =	simm.s32 $0x6C0;
	s25 =	simm.s32 $0x14D60  }
0xaf: {  	[tilespmem:s25], [sflag:$0x4] =	stream.indirect.gather [spmem:s1], $0x30, s19, s0, $0xb8;
	[tilespmem:$0x1E300] =	vst v63  }
0xb0: {  	s18 =	simm.s32 $0x720;
	s19 =	simm.s32 $0x15F60  }
0xb1: {  	[tilespmem:s19], [sflag:$0x4] =	stream.indirect.gather [spmem:s1], $0x30, s18, s0, $0xb8;
	[tilespmem:$0x1E300] =	vst v63  }
0xb2: {  	_ =	swait.ge [sflag:s22], $0x1200  }
0xb3: {  	[sflag:s22] =	ssyncset.done $0x0  }
0xb4: {  	[sflag:s22] =	ssyncadd.s32 $0xFFFFEE00  }
0xb5: {  	_ =	swait.ge [sflag:s22], $0x1200  }
0xb6: {  	[sflag:s22] =	ssyncset.done $0x0  }
0xb7: {  	[sflag:s22] =	ssyncadd.s32 $0xFFFFEE00  }
0xb8: {  	_ =	swait.ge [sflag:s22], $0x1200  }
0xb9: {  	[sflag:s22] =	ssyncset.done $0x0  }
0xba: {  	[sflag:s22] =	ssyncadd.s32 $0xFFFFEE00  }
0xbb: {  	_ =	swait.ge [sflag:s22], $0x1200  }
0xbc: {  	[sflag:s22] =	ssyncset.done $0x0  }
0xbd: {  	[sflag:s22] =	ssyncadd.s32 $0xFFFFEE00  }
0xbe: {  	_ =	swait.ge [sflag:s22], $0x1200  }
0xbf: {  	[sflag:s22] =	ssyncset.done $0x0  }
0xc0: {  	s25 =	rddreg [dreg:$0xd];
	[sflag:s22] =	ssyncadd.s32 $0xFFFFEE00  }
0xc1: {  	[hbm4b:s25+s23] =	stream.strided.scatter [tilespmem:s14], [sflag:$0x7], $0x5A00, s28, s23, $0x38;
	[tilespmem:$0x1E300] =	vst v63  }
0xc2: {  	s12 =	rddreg [dreg:$0x1c];
	s14 =	simm.s32 $0xF  }
0xc3: {  	[tilespmem:s4], [sflag:$0xC] =	stream.linear.gather [hbm4b:s12+s2], $0x1E0, $0x38;
	[tilespmem:$0x1E300] =	vst v63  }
0xc4: {  	_ =	swait.ge [sflag:s14], $0x1E0  }
0xc5: {  	[sflag:s14] =	ssyncset.done $0x0  }
0xc6: {  	s20 =	simm.s32 $0x17160;
	[sflag:s14] =	ssyncadd.s32 $0xFFFFFE20  }
0xc7: {  	[tilespmem:s20], [sflag:$0x5] =	stream.indirect.gather [spmem:s1], $0x30, s13, s0, $0xb8;
	[tilespmem:$0x1E300] =	vst v63  }
0xc8: {  	s18 =	simm.s32 $0x7E0;
	s19 =	simm.s32 $0x18360  }
0xc9: {  	[tilespmem:s19], [sflag:$0x5] =	stream.indirect.gather [spmem:s1], $0x30, s18, s0, $0xb8;
	[tilespmem:$0x1E300] =	vst v63  }
0xca: {  	s25 =	simm.s32 $0x19560;
	s20 =	simm.s32 $0x840  }
0xcb: {  	[tilespmem:s25], [sflag:$0x5] =	stream.indirect.gather [spmem:s1], $0x30, s20, s0, $0xb8;
	[tilespmem:$0x1E300] =	vst v63  }
0xcc: {  	s12 =	simm.s32 $0x8A0;
	s14 =	simm.s32 $0x1A760  }
0xcd: {  	[tilespmem:s14], [sflag:$0x5] =	stream.indirect.gather [spmem:s1], $0x30, s12, s0, $0xb8;
	[tilespmem:$0x1E300] =	vst v63  }
0xce: {  	s18 =	simm.s32 $0x900;
	s19 =	simm.s32 $0x1B960  }
0xcf: {  	[tilespmem:s19], [sflag:$0x5] =	stream.indirect.gather [spmem:s1], $0x30, s18, s0, $0xb8;
	[tilespmem:$0x1E300] =	vst v63  }
0xd0: {  	_ =	swait.ge [sflag:s10], $0x1200  }
0xd1: {  	[sflag:s10] =	ssyncset.done $0x0  }
0xd2: {  	[sflag:s10] =	ssyncadd.s32 $0xFFFFEE00  }
0xd3: {  	_ =	swait.ge [sflag:s10], $0x1200  }
0xd4: {  	[sflag:s10] =	ssyncset.done $0x0  }
0xd5: {  	[sflag:s10] =	ssyncadd.s32 $0xFFFFEE00  }
0xd6: {  	_ =	swait.ge [sflag:s10], $0x1200  }
0xd7: {  	[sflag:s10] =	ssyncset.done $0x0  }
0xd8: {  	[sflag:s10] =	ssyncadd.s32 $0xFFFFEE00  }
0xd9: {  	_ =	swait.ge [sflag:s10], $0x1200  }
0xda: {  	[sflag:s10] =	ssyncset.done $0x0  }
0xdb: {  	[sflag:s10] =	ssyncadd.s32 $0xFFFFEE00  }
0xdc: {  	_ =	swait.ge [sflag:s10], $0x1200  }
0xdd: {  	s20 =	rddreg [dreg:$0xe]  }
0xde: {  	s25 =	rddreg [dreg:$0x1d]  }
0xdf: {  	s18 =	rddreg [dreg:$0x1b]  }
0xe0: {  	s19 =	rddreg [dreg:$0x18]  }
0xe1: {  	[sflag:s10] =	ssyncset.done $0x0;
	s30 =	rddreg [dreg:$0x17]  }
0xe2: {  	s7 =	simm.s32 $0x11760;
	s3 =	rddreg [dreg:$0x19];
	[sflag:s10] =	ssyncadd.s32 $0xFFFFEE00  }
0xe3: {  	[hbm4b:s20+s23] =	stream.strided.scatter [tilespmem:s5], [sflag:$0x8], $0x5A00, s28, s23, $0x38;
	[tilespmem:$0x1E300] =	vst v63  }
0xe4: {  	s13 =	simm.s32 $0x17160;
	s12 =	simm.s32 $0x0;
	s20 =	rddreg [dreg:$0x1a]  }
0xe5: {  	[tilespmem:s6], [sflag:$0xD] =	stream.linear.gather [hbm4b:s25+s2], $0x1E0, $0x38;
	[tilespmem:$0x1E300] =	vst v63  }
.LBB2_2:
0xe6: {  	s4 =	simm.s32 $0xB  }
0xe7: {  	_ =	swait.ge [sflag:s4], $0x1E0  }
0xe8: {  	[sflag:s4] =	ssyncset.done $0x0  }
0xe9: {  	[sflag:s4] =	ssyncadd.s32 $0xFFFFFE20  }
0xea: {  	_ =	swait.ge [sflag:s11], $0x5A00  }
0xeb: {  	[sflag:s11] =	ssyncset.done $0x0  }
0xec: {  	s25 =	simm.s32 $0x960;
	[sflag:s11] =	ssyncadd.s32 $0xFFFFA600  }
0xed: {  	[tilespmem:s25], [sflag:$0x1] =	stream.indirect.gather [spmem:s1], $0x30, s2, s0, $0xb8;
	[tilespmem:$0x1E300] =	vst v63  }
0xee: {  	s14 =	simm.s32 $0x1B60  }
0xef: {  	[tilespmem:s14], [sflag:$0x1] =	stream.indirect.gather [spmem:s1], $0x30, s0, s0, $0xb8;
	[tilespmem:$0x1E300] =	vst v63  }
0xf0: {  	s5 =	simm.s32 $0xC0;
	s14 =	simm.s32 $0x2D60  }
0xf1: {  	[tilespmem:s14], [sflag:$0x1] =	stream.indirect.gather [spmem:s1], $0x30, s5, s0, $0xb8;
	[tilespmem:$0x1E300] =	vst v63  }
0xf2: {  	s14 =	simm.s32 $0x120;
	s5 =	simm.s32 $0x3F60  }
0xf3: {  	[tilespmem:s5], [sflag:$0x1] =	stream.indirect.gather [spmem:s1], $0x30, s14, s0, $0xb8;
	[tilespmem:$0x1E300] =	vst v63  }
0xf4: {  	s14 =	simm.s32 $0x180;
	s5 =	simm.s32 $0x5160  }
0xf5: {  	[tilespmem:s5], [sflag:$0x1] =	stream.indirect.gather [spmem:s1], $0x30, s14, s0, $0xb8;
	[tilespmem:$0x1E300] =	vst v63  }
0xf6: {  	_ =	swait.ge [sflag:s15], $0x1200  }
0xf7: {  	[sflag:s15] =	ssyncset.done $0x0  }
0xf8: {  	[sflag:s15] =	ssyncadd.s32 $0xFFFFEE00  }
0xf9: {  	_ =	swait.ge [sflag:s15], $0x1200  }
0xfa: {  	[sflag:s15] =	ssyncset.done $0x0  }
0xfb: {  	[sflag:s15] =	ssyncadd.s32 $0xFFFFEE00  }
0xfc: {  	_ =	swait.ge [sflag:s15], $0x1200  }
0xfd: {  	[sflag:s15] =	ssyncset.done $0x0  }
0xfe: {  	[sflag:s15] =	ssyncadd.s32 $0xFFFFEE00  }
0xff: {  	_ =	swait.ge [sflag:s15], $0x1200  }
0x100: {  	[sflag:s15] =	ssyncset.done $0x0  }
0x101: {  	[sflag:s15] =	ssyncadd.s32 $0xFFFFEE00  }
0x102: {  	_ =	swait.ge [sflag:s15], $0x1200  }
0x103: {  	[sflag:s15] =	ssyncset.done $0x0  }
0x104: {  	s14 =	rddreg [dreg:$0x16];
	[sflag:s15] =	ssyncadd.s32 $0xFFFFEE00  }
0x105: {  	[hbm4b:s19+s23] =	stream.strided.scatter [tilespmem:s7], [sflag:$0x9], $0x5A00, s28, s23, $0x38;
	[tilespmem:$0x1E300] =	vst v63  }
0x106: {  	s5 =	sadd.s32 s12, s14;
	s14 =	simm.s32 $0xC;
	s7 =	simm.s32 $0x5A0  }
0x107: {  	[tilespmem:s7], [sflag:$0xE] =	stream.linear.gather [hbm4b:s5+s2], $0x1E0, $0x38;
	[tilespmem:$0x1E300] =	vst v63  }
0x108: {  	_ =	swait.ge [sflag:s14], $0x1E0  }
0x109: {  	[sflag:s14] =	ssyncset.done $0x0  }
0x10a: {  	[sflag:s14] =	ssyncadd.s32 $0xFFFFFE20  }
0x10b: {  	_ =	swait.ge [sflag:s21], $0x5A00  }
0x10c: {  	[sflag:s21] =	ssyncset.done $0x0  }
0x10d: {  	s5 =	simm.s32 $0x1E0;
	[sflag:s21] =	ssyncadd.s32 $0xFFFFA600  }
0x10e: {  	[tilespmem:s31], [sflag:$0x2] =	stream.indirect.gather [spmem:s1], $0x30, s5, s0, $0xb8;
	[tilespmem:$0x1E300] =	vst v63  }
0x10f: {  	s14 =	simm.s32 $0x240;
	s5 =	simm.s32 $0x7560  }
0x110: {  	[tilespmem:s5], [sflag:$0x2] =	stream.indirect.gather [spmem:s1], $0x30, s14, s0, $0xb8;
	[tilespmem:$0x1E300] =	vst v63  }
0x111: {  	s14 =	simm.s32 $0x2A0;
	s5 =	simm.s32 $0x8760  }
0x112: {  	[tilespmem:s5], [sflag:$0x2] =	stream.indirect.gather [spmem:s1], $0x30, s14, s0, $0xb8;
	[tilespmem:$0x1E300] =	vst v63  }
0x113: {  	s14 =	simm.s32 $0x300;
	s5 =	simm.s32 $0x9960  }
0x114: {  	[tilespmem:s5], [sflag:$0x2] =	stream.indirect.gather [spmem:s1], $0x30, s14, s0, $0xb8;
	[tilespmem:$0x1E300] =	vst v63  }
0x115: {  	s14 =	simm.s32 $0x360;
	s5 =	simm.s32 $0xAB60  }
0x116: {  	[tilespmem:s5], [sflag:$0x2] =	stream.indirect.gather [spmem:s1], $0x30, s14, s0, $0xb8;
	[tilespmem:$0x1E300] =	vst v63  }
0x117: {  	_ =	swait.ge [sflag:s8], $0x1200  }
0x118: {  	[sflag:s8] =	ssyncset.done $0x0  }
0x119: {  	[sflag:s8] =	ssyncadd.s32 $0xFFFFEE00  }
0x11a: {  	_ =	swait.ge [sflag:s8], $0x1200  }
0x11b: {  	[sflag:s8] =	ssyncset.done $0x0  }
0x11c: {  	[sflag:s8] =	ssyncadd.s32 $0xFFFFEE00  }
0x11d: {  	_ =	swait.ge [sflag:s8], $0x1200  }
0x11e: {  	[sflag:s8] =	ssyncset.done $0x0  }
0x11f: {  	[sflag:s8] =	ssyncadd.s32 $0xFFFFEE00  }
0x120: {  	_ =	swait.ge [sflag:s8], $0x1200  }
0x121: {  	[sflag:s8] =	ssyncset.done $0x0  }
0x122: {  	[sflag:s8] =	ssyncadd.s32 $0xFFFFEE00  }
0x123: {  	_ =	swait.ge [sflag:s8], $0x1200  }
0x124: {  	[sflag:s8] =	ssyncset.done $0x0  }
0x125: {  	s14 =	rddreg [dreg:$0x15];
	[sflag:s8] =	ssyncadd.s32 $0xFFFFEE00  }
0x126: {  	[hbm4b:s30+s23] =	stream.strided.scatter [tilespmem:s13], [sflag:$0xA], $0x5A00, s28, s23, $0x38;
	[tilespmem:$0x1E300] =	vst v63  }
0x127: {  	s5 =	simm.s32 $0xD;
	s4 =	sadd.s32 s12, s14;
	s13 =	simm.s32 $0x780  }
0x128: {  	[tilespmem:s13], [sflag:$0xF] =	stream.linear.gather [hbm4b:s4+s2], $0x1E0, $0x38;
	[tilespmem:$0x1E300] =	vst v63  }
0x129: {  	_ =	swait.ge [sflag:s5], $0x1E0  }
0x12a: {  	[sflag:s5] =	ssyncset.done $0x0  }
0x12b: {  	[sflag:s5] =	ssyncadd.s32 $0xFFFFFE20  }
0x12c: {  	_ =	swait.ge [sflag:s9], $0x5A00  }
0x12d: {  	[sflag:s9] =	ssyncset.done $0x0  }
0x12e: {  	s5 =	simm.s32 $0xBD60;
	[sflag:s9] =	ssyncadd.s32 $0xFFFFA600  }
0x12f: {  	[tilespmem:s5], [sflag:$0x3] =	stream.indirect.gather [spmem:s1], $0x30, s6, s0, $0xb8;
	[tilespmem:$0x1E300] =	vst v63  }
0x130: {  	s14 =	simm.s32 $0xCF60;
	s6 =	simm.s32 $0x420  }
0x131: {  	[tilespmem:s14], [sflag:$0x3] =	stream.indirect.gather [spmem:s1], $0x30, s6, s0, $0xb8;
	[tilespmem:$0x1E300] =	vst v63  }
0x132: {  	s6 =	simm.s32 $0x480;
	s14 =	simm.s32 $0xE160  }
0x133: {  	[tilespmem:s14], [sflag:$0x3] =	stream.indirect.gather [spmem:s1], $0x30, s6, s0, $0xb8;
	[tilespmem:$0x1E300] =	vst v63  }
0x134: {  	s6 =	simm.s32 $0x4E0;
	s14 =	simm.s32 $0xF360  }
0x135: {  	[tilespmem:s14], [sflag:$0x3] =	stream.indirect.gather [spmem:s1], $0x30, s6, s0, $0xb8;
	[tilespmem:$0x1E300] =	vst v63  }
0x136: {  	s6 =	simm.s32 $0x540;
	s14 =	simm.s32 $0x10560  }
0x137: {  	[tilespmem:s14], [sflag:$0x3] =	stream.indirect.gather [spmem:s1], $0x30, s6, s0, $0xb8;
	[tilespmem:$0x1E300] =	vst v63  }
0x138: {  	_ =	swait.ge [sflag:s26], $0x1200  }
0x139: {  	[sflag:s26] =	ssyncset.done $0x0  }
0x13a: {  	[sflag:s26] =	ssyncadd.s32 $0xFFFFEE00  }
0x13b: {  	_ =	swait.ge [sflag:s26], $0x1200  }
0x13c: {  	[sflag:s26] =	ssyncset.done $0x0  }
0x13d: {  	[sflag:s26] =	ssyncadd.s32 $0xFFFFEE00  }
0x13e: {  	_ =	swait.ge [sflag:s26], $0x1200  }
0x13f: {  	[sflag:s26] =	ssyncset.done $0x0  }
0x140: {  	[sflag:s26] =	ssyncadd.s32 $0xFFFFEE00  }
0x141: {  	_ =	swait.ge [sflag:s26], $0x1200  }
0x142: {  	[sflag:s26] =	ssyncset.done $0x0  }
0x143: {  	[sflag:s26] =	ssyncadd.s32 $0xFFFFEE00  }
0x144: {  	_ =	swait.ge [sflag:s26], $0x1200  }
0x145: {  	[sflag:s26] =	ssyncset.done $0x0  }
0x146: {  	p1 =	seq.s32 s12, $0x960;
	s4 =	rddreg [dreg:$0x14];
	[sflag:s26] =	ssyncadd.s32 $0xFFFFEE00  }
0x147: {  	[hbm4b:s18+s23] =	stream.strided.scatter [tilespmem:s25], [sflag:$0x6], $0x5A00, s28, s23, $0x38;
	[tilespmem:$0x1E300] =	vst v63  }
0x148: {  	s14 =	sadd.s32 @!p1 s12, s4;
	s4 =	simm.s32 @!p1 $0x0;
	s25 =	simm.s32 $0xE  }
0x149: {  	[tilespmem:s4], [sflag:$0xB] =	stream.linear.gather @!p1 [hbm4b:s14+s4], $0x1E0, $0x38;
	[tilespmem:$0x1E300] =	vst v63  }
0x14a: {  	_ =	swait.ge [sflag:s25], $0x1E0  }
0x14b: {  	[sflag:s25] =	ssyncset.done $0x0  }
0x14c: {  	[sflag:s25] =	ssyncadd.s32 $0xFFFFFE20  }
0x14d: {  	_ =	swait.ge [sflag:s16], $0x5A00  }
0x14e: {  	[sflag:s16] =	ssyncset.done $0x0  }
0x14f: {  	[sflag:s16] =	ssyncadd.s32 $0xFFFFA600  }
0x150: {  	[tilespmem:s24], [sflag:$0x4] =	stream.indirect.gather [spmem:s1], $0x30, s7, s0, $0xb8;
	[tilespmem:$0x1E300] =	vst v63  }
0x151: {  	s14 =	simm.s32 $0x600;
	s25 =	simm.s32 $0x12960  }
0x152: {  	[tilespmem:s25], [sflag:$0x4] =	stream.indirect.gather [spmem:s1], $0x30, s14, s0, $0xb8;
	[tilespmem:$0x1E300] =	vst v63  }
0x153: {  	s14 =	simm.s32 $0x660;
	s25 =	simm.s32 $0x13B60  }
0x154: {  	[tilespmem:s25], [sflag:$0x4] =	stream.indirect.gather [spmem:s1], $0x30, s14, s0, $0xb8;
	[tilespmem:$0x1E300] =	vst v63  }
0x155: {  	s14 =	simm.s32 $0x6C0;
	s25 =	simm.s32 $0x14D60  }
0x156: {  	[tilespmem:s25], [sflag:$0x4] =	stream.indirect.gather [spmem:s1], $0x30, s14, s0, $0xb8;
	[tilespmem:$0x1E300] =	vst v63  }
0x157: {  	s14 =	simm.s32 $0x720;
	s25 =	simm.s32 $0x15F60  }
0x158: {  	[tilespmem:s25], [sflag:$0x4] =	stream.indirect.gather [spmem:s1], $0x30, s14, s0, $0xb8;
	[tilespmem:$0x1E300] =	vst v63  }
0x159: {  	_ =	swait.ge [sflag:s22], $0x1200  }
0x15a: {  	[sflag:s22] =	ssyncset.done $0x0  }
0x15b: {  	[sflag:s22] =	ssyncadd.s32 $0xFFFFEE00  }
0x15c: {  	_ =	swait.ge [sflag:s22], $0x1200  }
0x15d: {  	[sflag:s22] =	ssyncset.done $0x0  }
0x15e: {  	[sflag:s22] =	ssyncadd.s32 $0xFFFFEE00  }
0x15f: {  	_ =	swait.ge [sflag:s22], $0x1200  }
0x160: {  	[sflag:s22] =	ssyncset.done $0x0  }
0x161: {  	[sflag:s22] =	ssyncadd.s32 $0xFFFFEE00  }
0x162: {  	_ =	swait.ge [sflag:s22], $0x1200  }
0x163: {  	[sflag:s22] =	ssyncset.done $0x0  }
0x164: {  	[sflag:s22] =	ssyncadd.s32 $0xFFFFEE00  }
0x165: {  	_ =	swait.ge [sflag:s22], $0x1200  }
0x166: {  	[sflag:s22] =	ssyncset.done $0x0  }
0x167: {  	s6 =	rddreg [dreg:$0x13];
	[sflag:s22] =	ssyncadd.s32 $0xFFFFEE00  }
0x168: {  	[hbm4b:s20+s23] =	stream.strided.scatter [tilespmem:s31], [sflag:$0x7], $0x5A00, s28, s23, $0x38;
	[tilespmem:$0x1E300] =	vst v63  }
0x169: {  	s14 =	sadd.s32 @!p1 s12, s6;
	s6 =	simm.s32 @!p1 $0x1E0  }
0x16a: {  	[tilespmem:s6], [sflag:$0xC] =	stream.linear.gather @!p1 [hbm4b:s14+s4], $0x1E0, $0x38;
	[tilespmem:$0x1E300] =	vst v63  }
0x16b: {  	s14 =	simm.s32 $0xF  }
0x16c: {  	_ =	swait.ge [sflag:s14], $0x1E0  }
0x16d: {  	[sflag:s14] =	ssyncset.done $0x0  }
0x16e: {  	[sflag:s14] =	ssyncadd.s32 $0xFFFFFE20  }
0x16f: {  	_ =	swait.ge [sflag:s17], $0x5A00  }
0x170: {  	[sflag:s17] =	ssyncset.done $0x0  }
0x171: {  	[sflag:s17] =	ssyncadd.s32 $0xFFFFA600  }
0x172: {  	[tilespmem:s29], [sflag:$0x5] =	stream.indirect.gather [spmem:s1], $0x30, s13, s0, $0xb8;
	[tilespmem:$0x1E300] =	vst v63  }
0x173: {  	s6 =	simm.s32 $0x7E0;
	s14 =	simm.s32 $0x18360  }
0x174: {  	[tilespmem:s14], [sflag:$0x5] =	stream.indirect.gather [spmem:s1], $0x30, s6, s0, $0xb8;
	[tilespmem:$0x1E300] =	vst v63  }
0x175: {  	s6 =	simm.s32 $0x840;
	s14 =	simm.s32 $0x19560  }
0x176: {  	[tilespmem:s14], [sflag:$0x5] =	stream.indirect.gather [spmem:s1], $0x30, s6, s0, $0xb8;
	[tilespmem:$0x1E300] =	vst v63  }
0x177: {  	s6 =	simm.s32 $0x8A0;
	s14 =	simm.s32 $0x1A760  }
0x178: {  	[tilespmem:s14], [sflag:$0x5] =	stream.indirect.gather [spmem:s1], $0x30, s6, s0, $0xb8;
	[tilespmem:$0x1E300] =	vst v63  }
0x179: {  	s6 =	simm.s32 $0x900;
	s14 =	simm.s32 $0x1B960  }
0x17a: {  	[tilespmem:s14], [sflag:$0x5] =	stream.indirect.gather [spmem:s1], $0x30, s6, s0, $0xb8;
	[tilespmem:$0x1E300] =	vst v63  }
0x17b: {  	_ =	swait.ge [sflag:s10], $0x1200  }
0x17c: {  	[sflag:s10] =	ssyncset.done $0x0  }
0x17d: {  	[sflag:s10] =	ssyncadd.s32 $0xFFFFEE00  }
0x17e: {  	_ =	swait.ge [sflag:s10], $0x1200  }
0x17f: {  	[sflag:s10] =	ssyncset.done $0x0  }
0x180: {  	[sflag:s10] =	ssyncadd.s32 $0xFFFFEE00  }
0x181: {  	_ =	swait.ge [sflag:s10], $0x1200  }
0x182: {  	[sflag:s10] =	ssyncset.done $0x0  }
0x183: {  	[sflag:s10] =	ssyncadd.s32 $0xFFFFEE00  }
0x184: {  	_ =	swait.ge [sflag:s10], $0x1200  }
0x185: {  	[sflag:s10] =	ssyncset.done $0x0  }
.Ltmp2:
0x186: {  	[sflag:s10] =	ssyncadd.s32 $0xFFFFEE00;
	(pc) =	sbr.rel @p1 .LBB2_4-.Ltmp2, $4  }
0x187: {  	_ =	swait.ge [sflag:s10], $0x1200  }
0x188: {  	s7 =	simm.s32 $0x11760;
	[sflag:s10] =	ssyncset.done $0x0  }
0x189: {  	s25 =	simm.s32 $0x3C0;
	s13 =	simm.s32 $0x17160;
	[sflag:s10] =	ssyncadd.s32 $0xFFFFEE00  }
0x18a: {  	[hbm4b:s3+s23] =	stream.strided.scatter [tilespmem:s5], [sflag:$0x8], $0x5A00, s28, s23, $0x38;
	[tilespmem:$0x1E300] =	vst v63  }
.Ltmp3:
0x18b: {  	(pc) =	sbr.rel .LBB2_2-.Ltmp3, $4  }
0x18c: {  	s4 =	rddreg [dreg:$0x12];
	s3 =	sadd.s32 $0x9600, s3;
	s30 =	sadd.s32 $0x9600, s30  }
0x18d: {  	s20 =	sadd.s32 $0x9600, s20;
	s19 =	sadd.s32 $0x9600, s19;
	s18 =	sadd.s32 $0x9600, s18  }
0x18e: {  	s6 =	simm.s32 $0x3C0;
	s4 =	sadd.s32 s12, s4;
	s12 =	sadd.s32 $0x12C, s12  }
0x18f: {  	[tilespmem:s25], [sflag:$0xD] =	stream.linear.gather [hbm4b:s4+s2], $0x1E0, $0x38;
	[tilespmem:$0x1E300] =	vst v63  }
.LBB2_5:
0x190: {  	_ =	sfence.sel $0x180000  }
0x191: {  	[bflag:$0x0] =	sbarrier.arrive $0xFFFF  }
0x192: {  	_ =	strace $0x90000047  }
0x193: {  	[bflag:$0x2] =	sbarrier.arrive $0xFFFF  }
0x194: {  	s0 =	rddreg [dreg:$0x4]  }
0x195: {  	s0 =	sadd.s32 @!p0 $0x100000, s0  }
0x196: {  	[sflag:s0] =	ssyncadd.tile.s32 @!p0 $0x1;
	_ =	shalt  }
.Lfunc_end2:
_tile_overlayer_lowered:
.L_overlay_start_2:
0x197: {  	(tag) =	ssettag $0x2  }
0x198: {  	s0 =	rddreg [dreg:$0x0];
	s2 =	stileid.u32  }
0x199: {  	s1 =	rddreg [dreg:$0x1];
	p0 =	sne.s32 s2, $0x0  }
0x19a: {  	s3 =	rddreg [dreg:$0x2];
	[bflag:$0x3] =	sbarrier.arrive $0xFFFF;
	s2 =	simm.s32 @!p0 $0x1C10  }
0x19b: {  	[timem:s3], [sflag:s2] =	dma.local @!p0 [hbm:s0], s1  }
0x19c: {  	s0 =	simm.s32 @!p0 $0x10  }
0x19d: {  	_ =	swait.ge @!p0 [sflag:s0], s1  }
0x19e: {  	s1 =	ssub.s32 @!p0 $0x0, s1;
	[sflag:s0] =	ssyncset.done @!p0 $0x0  }
0x19f: {  	[sflag:s0] =	ssyncadd.s32 @!p0 s1  }
0x1a0: {  	[bflag:$0x3] =	sbarrier.arrive $0xFFFF  }
0x1a1: {  	_ =	shalt  }

</sc_bundles>
